<compile_context>
chip_gen: v7x
topology: tpu7x:2x2x1
jax: 0.10.2.dev20260603
libtpu: 0.0.44.dev20260713+nightly
codegen_flags: <defaults>
</compile_context>

<pallas_src>
import functools

import jax
import jax.numpy as jnp
from jax import lax
from jax.experimental import pallas as pl
from jax.experimental.pallas import tpu as pltpu
from jax.experimental.pallas import tpu_sc as plsc

N = 10000
F = 256
H = 512
C = 64
R = 10240
S = 4
SW = 128
E = 160000
NT = 16
ECH = 128
NCH = 79
EPAD = NT * NCH * ECH
NW = 32
NCH2 = 40
EPAD2 = NW * NCH2 * ECH
RPT = R // NT
BR = 2048
NRB = R // BR

_PREC = jax.lax.Precision.HIGHEST


def _mesh():
    return plsc.VectorSubcoreMesh(core_axis_name="c", subcore_axis_name="s")


def _sc_degree(dst2, zeros128, ones128):

    @functools.partial(
        pl.kernel,
        out_type=jax.ShapeDtypeStruct((2 * R, 128), jnp.float32),
        mesh=_mesh(),
        scratch_types=[
            pltpu.VMEM((NCH2, ECH), jnp.int32),
            pltpu.VMEM((ECH, 128), jnp.float32),
            pltpu.VMEM_SHARED((R, 128), jnp.float32),
        ],
    )
    def k(dst_hbm, z_hbm, one_hbm, out_hbm, didx, ones_v, acc):
        c = lax.axis_index("c")
        t = lax.axis_index("s")
        pltpu.sync_copy(one_hbm, ones_v)
        pltpu.sync_copy(z_hbm.at[pl.ds(t * RPT, RPT)], acc.at[pl.ds(t * RPT, RPT)])
        pltpu.sync_copy(dst_hbm.at[c, t], didx)
        plsc.subcore_barrier()

        @pl.loop(0, NCH2)
        def _(i):
            pltpu.sync_copy(ones_v, acc.at[didx.at[i]], add=True)

        plsc.subcore_barrier()
        pltpu.sync_copy(acc.at[pl.ds(t * RPT, RPT)],
                        out_hbm.at[pl.ds(c * R + t * RPT, RPT)])

    return k(dst2, zeros128, ones128)


def _sc_aggregate(g, src_slab, dstp):

    @functools.partial(
        pl.kernel,
        out_type=jax.ShapeDtypeStruct((S * R, SW), jnp.float32),
        mesh=_mesh(),
        scratch_types=[
            pltpu.VMEM((NCH, ECH), jnp.int32),
            pltpu.VMEM((NCH, ECH), jnp.int32),
            pltpu.VMEM((ECH, SW), jnp.float32),
            pltpu.VMEM_SHARED((R, SW), jnp.float32),
            pltpu.SemaphoreType.DMA,
        ],
    )
    def k(g_hbm, src_hbm, dst_hbm, out_hbm, sidx, didx, gbuf, acc, sem):
        c = lax.axis_index("c")
        t = lax.axis_index("s")
        pltpu.sync_copy(dst_hbm.at[t], didx)
        for j in range(S // 2):
            s = c * (S // 2) + j
            pltpu.sync_copy(src_hbm.at[s, t], sidx)
            pltpu.sync_copy(g_hbm.at[pl.ds(s * R + t * RPT, RPT)],
                            acc.at[pl.ds(t * RPT, RPT)])
            plsc.subcore_barrier()

            @pl.loop(0, NCH)
            def _(i):
                pltpu.async_copy(g_hbm.at[sidx.at[i]], gbuf, sem).wait()
                pltpu.sync_copy(gbuf, acc.at[didx.at[i]], add=True)

            plsc.subcore_barrier()
            pltpu.sync_copy(acc.at[pl.ds(t * RPT, RPT)],
                            out_hbm.at[pl.ds(s * R + t * RPT, RPT)])

    return k(g, src_slab, dstp)


def _dot(a, b):
    return jax.lax.dot_general(a, b, (((1,), (0,)), ((), ())),
                               precision=_PREC,
                               preferred_element_type=jnp.float32)


def _tc_dinv(degp):

    def body(a_ref, b_ref, o_ref):
        i = pl.program_id(0)
        deg = 1.0 + a_ref[:, :1] + b_ref[:, :1]
        rows = jax.lax.broadcasted_iota(jnp.int32, (BR, 1), 0) + i * BR
        dv = jnp.where(rows < N, jax.lax.rsqrt(deg), 0.0)
        o_ref[...] = jnp.broadcast_to(dv, (BR, 128))

    return pl.pallas_call(
        body,
        grid=(NRB,),
        in_specs=[pl.BlockSpec((BR, 128), lambda i: (i, 0)),
                  pl.BlockSpec((BR, 128), lambda i: (i + NRB, 0))],
        out_specs=pl.BlockSpec((BR, 128), lambda i: (i, 0)),
        out_shape=jax.ShapeDtypeStruct((R, 128), jnp.float32),
    )(degp, degp)


def _tc_wprod(a, b):

    def body(a_ref, b_ref, o_ref):
        o_ref[...] = _dot(a_ref[...], b_ref[...])

    return pl.pallas_call(
        body, out_shape=jax.ShapeDtypeStruct((F, H), jnp.float32),
    )(a, b)


def _tc_first(xp, Wc, dinv):

    def body(x_ref, w_ref, d_ref, o_ref):
        o_ref[...] = d_ref[:, :1] * _dot(x_ref[...], w_ref[...])

    return pl.pallas_call(
        body,
        grid=(S, NRB),
        in_specs=[pl.BlockSpec((BR, F), lambda s, i: (i, 0)),
                  pl.BlockSpec((F, SW), lambda s, i: (0, s)),
                  pl.BlockSpec((BR, 128), lambda s, i: (i, 0))],
        out_specs=pl.BlockSpec((BR, SW), lambda s, i: (s * NRB + i, 0)),
        out_shape=jax.ShapeDtypeStruct((S * R, SW), jnp.float32),
    )(xp, Wc, dinv)


def _tc_mid(agg, b3, W, dinv):

    def body(a_ref, b_ref, w_ref, d_ref, o_ref):
        k = pl.program_id(2)
        dv = d_ref[:, :1]
        hblk = jnp.maximum(dv * a_ref[...] + b_ref[0], 0.0)
        mm = _dot(hblk, w_ref[...])

        @pl.when(k == 0)
        def _():
            o_ref[...] = mm

        @pl.when(k > 0)
        def _():
            o_ref[...] += mm

        @pl.when(k == S - 1)
        def _():
            o_ref[...] *= dv

    return pl.pallas_call(
        body,
        grid=(S, NRB, S),
        in_specs=[pl.BlockSpec((BR, SW), lambda s, i, k: (k * NRB + i, 0)),
                  pl.BlockSpec((1, 1, SW), lambda s, i, k: (k, 0, 0)),
                  pl.BlockSpec((SW, SW), lambda s, i, k: (k, s)),
                  pl.BlockSpec((BR, 128), lambda s, i, k: (i, 0))],
        out_specs=pl.BlockSpec((BR, SW), lambda s, i, k: (s * NRB + i, 0)),
        out_shape=jax.ShapeDtypeStruct((S * R, SW), jnp.float32),
    )(agg, b3, W, dinv)


def _tc_cls(agg, b3, Wout, dinv):

    def body(a_ref, b_ref, w_ref, d_ref, o_ref):
        k = pl.program_id(1)
        dv = d_ref[:, :1]
        hblk = jnp.maximum(dv * a_ref[...] + b_ref[0], 0.0)
        mm = _dot(hblk, w_ref[...])

        @pl.when(k == 0)
        def _():
            o_ref[...] = mm

        @pl.when(k > 0)
        def _():
            o_ref[...] += mm

        @pl.when(k == S - 1)
        def _():
            z = o_ref[...]
            m = jnp.max(z, axis=1, keepdims=True)
            ez = jnp.exp(z - m)
            o_ref[...] = (z - m) - jnp.log(jnp.sum(ez, axis=1, keepdims=True))

    return pl.pallas_call(
        body,
        grid=(NRB, S),
        in_specs=[pl.BlockSpec((BR, SW), lambda i, k: (k * NRB + i, 0)),
                  pl.BlockSpec((1, 1, SW), lambda i, k: (k, 0, 0)),
                  pl.BlockSpec((SW, C), lambda i, k: (k, 0)),
                  pl.BlockSpec((BR, 128), lambda i, k: (i, 0))],
        out_specs=pl.BlockSpec((BR, C), lambda i, k: (i, 0)),
        out_shape=jax.ShapeDtypeStruct((R, C), jnp.float32),
    )(agg, b3, Wout, dinv)


def kernel(x, edge_index, weight_in, weight_out, W0, W1, W2, b0, b1, b2):
    i32 = jnp.int32
    f32 = jnp.float32
    src = edge_index[0]
    dst = edge_index[1]

    pad = jnp.full((EPAD - E,), N, i32)
    srcp = jnp.concatenate([src, pad]).reshape(NT, NCH, ECH)
    dstp = jnp.concatenate([dst, pad]).reshape(NT, NCH, ECH)
    src_slab = srcp[None] + (jnp.arange(S, dtype=i32) * R)[:, None, None, None]
    dst2 = jnp.concatenate(
        [dst, jnp.full((EPAD2 - E,), N, i32)]).reshape(2, NT, NCH2, ECH)
    xp = jnp.pad(x, ((0, R - N), (0, 0)))
    zeros128 = jnp.zeros((R, 128), f32)
    ones128 = jnp.ones((ECH, 128), f32)

    degp = _sc_degree(dst2, zeros128, ones128)
    dinv = _tc_dinv(degp)
    Wc = _tc_wprod(weight_in, W0)
    g = _tc_first(xp, Wc, dinv)
    for (W, b) in ((W1, b0), (W2, b1)):
        agg = _sc_aggregate(g, src_slab, dstp)
        g = _tc_mid(agg, b.reshape(S, 1, SW), W, dinv)
    agg = _sc_aggregate(g, src_slab, dstp)
    out = _tc_cls(agg, b2.reshape(S, 1, SW), weight_out, dinv)
    return out[:N]

# --- scband reference (transcript-rebuilt; emitter-appended) ---
"""Pipeline reference for scband-gcn-21758304322200 (READ-ONLY COPY).

The authoritative reference and input builder live on the scoring server;
editing this copy changes nothing except your own understanding.
"""

import jax, jax.numpy as jnp
import numpy as np

N_NODES = 10000
N_FEAT = 256
HIDDEN = 512
N_CLASSES = 64
LAYERS = 3
N_EDGES = 160000

def glorot(key, shape):
    fan_in, fan_out = shape[0], shape[1]
    std = jnp.sqrt(6.0 / (fan_in + fan_out))
    return jax.random.uniform(key, shape, minval=-std, maxval=std, dtype=jnp.float32)

def setup_inputs(seed: int = 0) -> dict:
    key = jax.random.key(seed)
    ks = jax.random.split(key, 16)
    x = jax.random.normal(ks[0], (N_NODES, N_FEAT), dtype=jnp.float32)
    edge_index = jax.random.randint(ks[1], (2, N_EDGES), 0, N_NODES, dtype=jnp.int64 if jax.config.jax_enable_x64 else jnp.int32).astype(jnp.int32)
    weight_in = glorot(ks[2], (N_FEAT, HIDDEN))
    weight_out = glorot(ks[3], (HIDDEN, N_CLASSES))
    W0 = glorot(ks[4], (HIDDEN, HIDDEN))
    W1 = glorot(ks[5], (HIDDEN, HIDDEN))
    W2 = glorot(ks[6], (HIDDEN, HIDDEN))
    b0 = jnp.zeros((HIDDEN,), dtype=jnp.float32)
    b1 = jnp.zeros((HIDDEN,), dtype=jnp.float32)
    b2 = jnp.zeros((HIDDEN,), dtype=jnp.float32)
    return {"x": x, "edge_index": edge_index, "weight_in": weight_in, "weight_out": weight_out,
            "W0": W0, "W1": W1, "W2": W2, "b0": b0, "b1": b1, "b2": b2}

def _gcn_conv(h, edge_index, W, b):
    # PyG-style GCNConv: linear transform, add self-loops, symmetric normalization, scatter-add aggregate
    h = h @ W
    loop = jnp.arange(N_NODES, dtype=edge_index.dtype)
    src = jnp.concatenate([edge_index[0], loop])
    dst = jnp.concatenate([edge_index[1], loop])
    deg = jnp.zeros((N_NODES,), dtype=h.dtype).at[dst].add(1.0)
    dinv = jnp.where(deg > 0, deg ** -0.5, 0.0)
    norm = dinv[src] * dinv[dst]
    msg = h[src] * norm[:, None]
    out = jnp.zeros_like(h).at[dst].add(msg)
    return out + b

def reference(x, edge_index, weight_in, weight_out, W0, W1, W2, b0, b1, b2):
    # input transform (spmm with dense x == matmul)
    h = x @ weight_in
    for W, b in ((W0, b0), (W1, b1), (W2, b2)):
        h = _gcn_conv(h, edge_index, W, b)
        h = jax.nn.relu(h)
        # dropout is identity in eval mode
    h = h @ weight_out
    return jax.nn.log_softmax(h, axis=1)

if __name__ == "__main__":
    import jax
    _d = setup_inputs()
    print(jax.jit(kernel)(*tuple(_d.values())))

</pallas_src>

<mosaic_0001>
#map = affine_map<(d0, d1) -> (0, 0)>
#map1 = affine_map<(d0, d1) -> (0, 0, 0, 0)>
#map2 = affine_map<(d0, d1) -> (0, 0, 0)>
module attributes {stable_mosaic.version = 14 : i64} {
  func.func @k(%arg0: i32, %arg1: i32, %arg2: memref<40960x128xf32, #tpu.memory_space<hbm>>, %arg3: memref<4x16x79x128xi32, #tpu.memory_space<hbm>>, %arg4: memref<16x79x128xi32, #tpu.memory_space<hbm>>, %arg5: memref<40960x128xf32, #tpu.memory_space<hbm>>, %arg6: memref<79x128xi32, #tpu.memory_space<vmem>>, %arg7: memref<79x128xi32, #tpu.memory_space<vmem>>, %arg8: memref<128x128xf32, #tpu.memory_space<vmem>>, %arg9: memref<10240x128xf32, #tpu.memory_space<vmem_shared>>, %arg10: memref<!tpu.dma_semaphore, #tpu.memory_space<semaphore_mem>>) attributes {dimension_semantics = [#tpu.dimension_semantics<core_parallel>, #tpu.dimension_semantics<subcore_parallel>], iteration_bounds = array<i64: 2, 16>, scalar_prefetch = 0 : i64, scratch_operands = 5 : i64, tpu.core_type = #tpu.core_type<sc_vector_subcore>, window_params = [{transform_indices = #map}, {transform_indices = #map1}, {transform_indices = #map2}, {transform_indices = #map}]} {
    "tpu.region"() ({
      %run_scoped3A = tpu.sem_alloc : memref<!tpu.dma_semaphore, #tpu.memory_space<semaphore_mem>>
      %dma_start3A = arith.constant 0 : i32
      %dma_start3A_46 = arith.constant 0 : i32
      %dma_start3A_47 = tpu.memref_slice %arg4[%arg1, %dma_start3A, %dma_start3A_46] : memref<16x79x128xi32, #tpu.memory_space<hbm>> -> memref<1x79x128xi32, #tpu.memory_space<hbm>>
      %dma_start3A_48 = tpu.memref_squeeze %dma_start3A_47 : memref<1x79x128xi32, #tpu.memory_space<hbm>> -> memref<79x128xi32, #tpu.memory_space<hbm>>
      %dma_start3A_49 = arith.constant 0 : i32
      %dma_start3A_50 = arith.constant 0 : i32
      %dma_start3A_51 = tpu.memref_slice %arg4[%arg1, %dma_start3A_49, %dma_start3A_50] : memref<16x79x128xi32, #tpu.memory_space<hbm>> -> memref<1x79x128xi32, #tpu.memory_space<hbm>>
      %dma_start3A_52 = tpu.memref_squeeze %dma_start3A_51 : memref<1x79x128xi32, #tpu.memory_space<hbm>> -> memref<79x128xi32, #tpu.memory_space<hbm>>
      tpu.enqueue_dma source(%dma_start3A_52 : memref<79x128xi32, #tpu.memory_space<hbm>>) target(%arg7 : memref<79x128xi32, #tpu.memory_space<vmem>>) target_semaphore(%run_scoped3A : memref<!tpu.dma_semaphore, #tpu.memory_space<semaphore_mem>>)
      %dma_wait3A = arith.constant 0 : i32
      %dma_wait3A_53 = arith.constant 0 : i32
      %dma_wait3A_54 = tpu.memref_slice %arg4[%arg1, %dma_wait3A, %dma_wait3A_53] : memref<16x79x128xi32, #tpu.memory_space<hbm>> -> memref<1x79x128xi32, #tpu.memory_space<hbm>>
      %dma_wait3A_55 = tpu.memref_squeeze %dma_wait3A_54 : memref<1x79x128xi32, #tpu.memory_space<hbm>> -> memref<79x128xi32, #tpu.memory_space<hbm>>
      %dma_wait3A_56 = arith.constant 0 : i32
      %dma_wait3A_57 = arith.constant 0 : i32
      %dma_wait3A_58 = tpu.memref_slice %arg4[%arg1, %dma_wait3A_56, %dma_wait3A_57] : memref<16x79x128xi32, #tpu.memory_space<hbm>> -> memref<1x79x128xi32, #tpu.memory_space<hbm>>
      %dma_wait3A_59 = tpu.memref_squeeze %dma_wait3A_58 : memref<1x79x128xi32, #tpu.memory_space<hbm>> -> memref<79x128xi32, #tpu.memory_space<hbm>>
      tpu.wait_dma2 semaphore(%run_scoped3A : memref<!tpu.dma_semaphore, #tpu.memory_space<semaphore_mem>>) src(%dma_wait3A_59 : memref<79x128xi32, #tpu.memory_space<hbm>>) dst(%arg7 : memref<79x128xi32, #tpu.memory_space<vmem>>)
      tpu.yield
    }) : () -> ()
    %mul3A = arith.constant 2 : i32
    %mul3A_0 = arith.muli %arg0, %mul3A : i32
    %add3A = arith.constant 0 : i32
    %add3A_1 = arith.addi %mul3A_0, %add3A : i32
    "tpu.region"() ({
      %run_scoped3A = tpu.sem_alloc : memref<!tpu.dma_semaphore, #tpu.memory_space<semaphore_mem>>
      %dma_start3A = arith.constant 0 : i32
      %dma_start3A_46 = arith.constant 0 : i32
      %dma_start3A_47 = tpu.memref_slice %arg3[%add3A_1, %arg1, %dma_start3A, %dma_start3A_46] : memref<4x16x79x128xi32, #tpu.memory_space<hbm>> -> memref<1x1x79x128xi32, #tpu.memory_space<hbm>>
      %dma_start3A_48 = tpu.memref_squeeze %dma_start3A_47 : memref<1x1x79x128xi32, #tpu.memory_space<hbm>> -> memref<79x128xi32, #tpu.memory_space<hbm>>
      %dma_start3A_49 = arith.constant 0 : i32
      %dma_start3A_50 = arith.constant 0 : i32
      %dma_start3A_51 = tpu.memref_slice %arg3[%add3A_1, %arg1, %dma_start3A_49, %dma_start3A_50] : memref<4x16x79x128xi32, #tpu.memory_space<hbm>> -> memref<1x1x79x128xi32, #tpu.memory_space<hbm>>
      %dma_start3A_52 = tpu.memref_squeeze %dma_start3A_51 : memref<1x1x79x128xi32, #tpu.memory_space<hbm>> -> memref<79x128xi32, #tpu.memory_space<hbm>>
      tpu.enqueue_dma source(%dma_start3A_52 : memref<79x128xi32, #tpu.memory_space<hbm>>) target(%arg6 : memref<79x128xi32, #tpu.memory_space<vmem>>) target_semaphore(%run_scoped3A : memref<!tpu.dma_semaphore, #tpu.memory_space<semaphore_mem>>)
      %dma_wait3A = arith.constant 0 : i32
      %dma_wait3A_53 = arith.constant 0 : i32
      %dma_wait3A_54 = tpu.memref_slice %arg3[%add3A_1, %arg1, %dma_wait3A, %dma_wait3A_53] : memref<4x16x79x128xi32, #tpu.memory_space<hbm>> -> memref<1x1x79x128xi32, #tpu.memory_space<hbm>>
      %dma_wait3A_55 = tpu.memref_squeeze %dma_wait3A_54 : memref<1x1x79x128xi32, #tpu.memory_space<hbm>> -> memref<79x128xi32, #tpu.memory_space<hbm>>
      %dma_wait3A_56 = arith.constant 0 : i32
      %dma_wait3A_57 = arith.constant 0 : i32
      %dma_wait3A_58 = tpu.memref_slice %arg3[%add3A_1, %arg1, %dma_wait3A_56, %dma_wait3A_57] : memref<4x16x79x128xi32, #tpu.memory_space<hbm>> -> memref<1x1x79x128xi32, #tpu.memory_space<hbm>>
      %dma_wait3A_59 = tpu.memref_squeeze %dma_wait3A_58 : memref<1x1x79x128xi32, #tpu.memory_space<hbm>> -> memref<79x128xi32, #tpu.memory_space<hbm>>
      tpu.wait_dma2 semaphore(%run_scoped3A : memref<!tpu.dma_semaphore, #tpu.memory_space<semaphore_mem>>) src(%dma_wait3A_59 : memref<79x128xi32, #tpu.memory_space<hbm>>) dst(%arg6 : memref<79x128xi32, #tpu.memory_space<vmem>>)
      tpu.yield
    }) : () -> ()
    %mul3A_2 = arith.constant 10240 : i32
    %mul3A_3 = arith.muli %add3A_1, %mul3A_2 : i32
    %mul3A_4 = arith.constant 640 : i32
    %mul3A_5 = arith.muli %arg1, %mul3A_4 : i32
    %add3A_6 = arith.addi %mul3A_3, %mul3A_5 : i32
    %mul3A_7 = arith.constant 640 : i32
    %mul3A_8 = arith.muli %arg1, %mul3A_7 : i32
    "tpu.region"() ({
      %run_scoped3A = tpu.sem_alloc : memref<!tpu.dma_semaphore, #tpu.memory_space<semaphore_mem>>
      %dma_start3A = arith.constant 0 : i32
      %dma_start3A_46 = tpu.memref_slice %arg9[%mul3A_8, %dma_start3A] : memref<10240x128xf32, #tpu.memory_space<vmem_shared>> -> memref<640x128xf32, #tpu.memory_space<vmem_shared>>
      %dma_start3A_47 = arith.constant 0 : i32
      %dma_start3A_48 = tpu.memref_slice %arg2[%add3A_6, %dma_start3A_47] : memref<40960x128xf32, #tpu.memory_space<hbm>> -> memref<640x128xf32, #tpu.memory_space<hbm>>
      tpu.enqueue_dma source(%dma_start3A_48 : memref<640x128xf32, #tpu.memory_space<hbm>>) target(%dma_start3A_46 : memref<640x128xf32, #tpu.memory_space<vmem_shared>>) target_semaphore(%run_scoped3A : memref<!tpu.dma_semaphore, #tpu.memory_space<semaphore_mem>>)
      %dma_wait3A = arith.constant 0 : i32
      %dma_wait3A_49 = tpu.memref_slice %arg9[%mul3A_8, %dma_wait3A] : memref<10240x128xf32, #tpu.memory_space<vmem_shared>> -> memref<640x128xf32, #tpu.memory_space<vmem_shared>>
      %dma_wait3A_50 = arith.constant 0 : i32
      %dma_wait3A_51 = tpu.memref_slice %arg2[%add3A_6, %dma_wait3A_50] : memref<40960x128xf32, #tpu.memory_space<hbm>> -> memref<640x128xf32, #tpu.memory_space<hbm>>
      tpu.wait_dma2 semaphore(%run_scoped3A : memref<!tpu.dma_semaphore, #tpu.memory_space<semaphore_mem>>) src(%dma_wait3A_51 : memref<640x128xf32, #tpu.memory_space<hbm>>) dst(%dma_wait3A_49 : memref<640x128xf32, #tpu.memory_space<vmem_shared>>)
      tpu.yield
    }) : () -> ()
    %barrier3A = arith.constant 0 : index
    tpu.barrier barrier_id(%barrier3A)
    %scan3A = arith.constant 0 : i32
    %scan3A_9 = arith.constant 79 : i32
    %scan3A_10 = arith.addi %scan3A, %scan3A_9 : i32
    %scan3A_11 = arith.constant 1 : i32
    scf.for %scan3A_46 = %scan3A to %scan3A_10 step %scan3A_11  : i32 {
      %mul3A_47 = arith.constant 1 : i32
      %mul3A_48 = arith.muli %scan3A_46, %mul3A_47 : i32
      %add3A_49 = arith.constant 0 : i32
      %add3A_50 = arith.addi %add3A_49, %mul3A_48 : i32
      %dma_start3A = arith.constant 0 : i32
      %dma_start3A_51 = tpu.memref_slice %arg6[%add3A_50, %dma_start3A] : memref<79x128xi32, #tpu.memory_space<vmem>> -> memref<1x128xi32, #tpu.memory_space<vmem>>
      %dma_start3A_52 = tpu.memref_squeeze %dma_start3A_51 : memref<1x128xi32, #tpu.memory_space<vmem>> -> memref<128xi32, #tpu.memory_space<vmem>>
      %dma_start3A_53 = arith.constant 0 : i32
      %dma_start3A_54 = arith.constant 0 : i32
      %dma_start3A_55 = tpu.memref_slice %arg2[%dma_start3A_53, %dma_start3A_54] : memref<40960x128xf32, #tpu.memory_space<hbm>> -> memref<40960x128xf32, #tpu.memory_space<hbm>>
      tpu.enqueue_indirect_dma source(%dma_start3A_55 : memref<40960x128xf32, #tpu.memory_space<hbm>>) target(%arg8 : memref<128x128xf32, #tpu.memory_space<vmem>>) offsets(%dma_start3A_52 : memref<128xi32, #tpu.memory_space<vmem>>) semaphore(%arg10 : memref<!tpu.dma_semaphore, #tpu.memory_space<semaphore_mem>>)
      %dma_wait3A = arith.constant 0 : i32
      %dma_wait3A_56 = tpu.memref_slice %arg6[%add3A_50, %dma_wait3A] : memref<79x128xi32, #tpu.memory_space<vmem>> -> memref<1x128xi32, #tpu.memory_space<vmem>>
      %dma_wait3A_57 = tpu.memref_squeeze %dma_wait3A_56 : memref<1x128xi32, #tpu.memory_space<vmem>> -> memref<128xi32, #tpu.memory_space<vmem>>
      %dma_wait3A_58 = arith.constant 0 : i32
      %dma_wait3A_59 = arith.constant 0 : i32
      %dma_wait3A_60 = tpu.memref_slice %arg2[%dma_wait3A_58, %dma_wait3A_59] : memref<40960x128xf32, #tpu.memory_space<hbm>> -> memref<40960x128xf32, #tpu.memory_space<hbm>>
      tpu.wait_indirect_dma semaphore(%arg10 : memref<!tpu.dma_semaphore, #tpu.memory_space<semaphore_mem>>) src(%dma_wait3A_60 : memref<40960x128xf32, #tpu.memory_space<hbm>>) dst(%arg8 : memref<128x128xf32, #tpu.memory_space<vmem>>)
      "tpu.region"() ({
        %run_scoped3A = tpu.sem_alloc : memref<!tpu.dma_semaphore, #tpu.memory_space<semaphore_mem>>
        %dma_start3A_61 = arith.constant 0 : i32
        %dma_start3A_62 = tpu.memref_slice %arg7[%add3A_50, %dma_start3A_61] : memref<79x128xi32, #tpu.memory_space<vmem>> -> memref<1x128xi32, #tpu.memory_space<vmem>>
        %dma_start3A_63 = tpu.memref_squeeze %dma_start3A_62 : memref<1x128xi32, #tpu.memory_space<vmem>> -> memref<128xi32, #tpu.memory_space<vmem>>
        %dma_start3A_64 = arith.constant 0 : i32
        %dma_start3A_65 = arith.constant 0 : i32
        %dma_start3A_66 = tpu.memref_slice %arg9[%dma_start3A_64, %dma_start3A_65] : memref<10240x128xf32, #tpu.memory_space<vmem_shared>> -> memref<10240x128xf32, #tpu.memory_space<vmem_shared>>
        tpu.enqueue_indirect_dma source(%arg8 : memref<128x128xf32, #tpu.memory_space<vmem>>) target(%dma_start3A_66 : memref<10240x128xf32, #tpu.memory_space<vmem_shared>>) offsets(%dma_start3A_63 : memref<128xi32, #tpu.memory_space<vmem>>) semaphore(%run_scoped3A : memref<!tpu.dma_semaphore, #tpu.memory_space<semaphore_mem>>) {add = true}
        %dma_wait3A_67 = arith.constant 0 : i32
        %dma_wait3A_68 = tpu.memref_slice %arg7[%add3A_50, %dma_wait3A_67] : memref<79x128xi32, #tpu.memory_space<vmem>> -> memref<1x128xi32, #tpu.memory_space<vmem>>
        %dma_wait3A_69 = tpu.memref_squeeze %dma_wait3A_68 : memref<1x128xi32, #tpu.memory_space<vmem>> -> memref<128xi32, #tpu.memory_space<vmem>>
        %dma_wait3A_70 = arith.constant 0 : i32
        %dma_wait3A_71 = arith.constant 0 : i32
        %dma_wait3A_72 = tpu.memref_slice %arg9[%dma_wait3A_70, %dma_wait3A_71] : memref<10240x128xf32, #tpu.memory_space<vmem_shared>> -> memref<10240x128xf32, #tpu.memory_space<vmem_shared>>
        tpu.wait_indirect_dma semaphore(%run_scoped3A : memref<!tpu.dma_semaphore, #tpu.memory_space<semaphore_mem>>) src(%arg8 : memref<128x128xf32, #tpu.memory_space<vmem>>) dst(%dma_wait3A_72 : memref<10240x128xf32, #tpu.memory_space<vmem_shared>>)
        tpu.yield
      }) : () -> ()
    }
    %scan3A_12 = arith.constant 79 : i32
    %barrier3A_13 = arith.constant 0 : index
    tpu.barrier barrier_id(%barrier3A_13)
    %mul3A_14 = arith.constant 640 : i32
    %mul3A_15 = arith.muli %arg1, %mul3A_14 : i32
    %mul3A_16 = arith.constant 10240 : i32
    %mul3A_17 = arith.muli %add3A_1, %mul3A_16 : i32
    %mul3A_18 = arith.constant 640 : i32
    %mul3A_19 = arith.muli %arg1, %mul3A_18 : i32
    %add3A_20 = arith.addi %mul3A_17, %mul3A_19 : i32
    "tpu.region"() ({
      %run_scoped3A = tpu.sem_alloc : memref<!tpu.dma_semaphore, #tpu.memory_space<semaphore_mem>>
      %dma_start3A = arith.constant 0 : i32
      %dma_start3A_46 = tpu.memref_slice %arg5[%add3A_20, %dma_start3A] : memref<40960x128xf32, #tpu.memory_space<hbm>> -> memref<640x128xf32, #tpu.memory_space<hbm>>
      %dma_start3A_47 = arith.constant 0 : i32
      %dma_start3A_48 = tpu.memref_slice %arg9[%mul3A_15, %dma_start3A_47] : memref<10240x128xf32, #tpu.memory_space<vmem_shared>> -> memref<640x128xf32, #tpu.memory_space<vmem_shared>>
      tpu.enqueue_dma source(%dma_start3A_48 : memref<640x128xf32, #tpu.memory_space<vmem_shared>>) target(%dma_start3A_46 : memref<640x128xf32, #tpu.memory_space<hbm>>) target_semaphore(%run_scoped3A : memref<!tpu.dma_semaphore, #tpu.memory_space<semaphore_mem>>)
      %dma_wait3A = arith.constant 0 : i32
      %dma_wait3A_49 = tpu.memref_slice %arg5[%add3A_20, %dma_wait3A] : memref<40960x128xf32, #tpu.memory_space<hbm>> -> memref<640x128xf32, #tpu.memory_space<hbm>>
      %dma_wait3A_50 = arith.constant 0 : i32
      %dma_wait3A_51 = tpu.memref_slice %arg9[%mul3A_15, %dma_wait3A_50] : memref<10240x128xf32, #tpu.memory_space<vmem_shared>> -> memref<640x128xf32, #tpu.memory_space<vmem_shared>>
      tpu.wait_dma2 semaphore(%run_scoped3A : memref<!tpu.dma_semaphore, #tpu.memory_space<semaphore_mem>>) src(%dma_wait3A_51 : memref<640x128xf32, #tpu.memory_space<vmem_shared>>) dst(%dma_wait3A_49 : memref<640x128xf32, #tpu.memory_space<hbm>>)
      tpu.yield
    }) : () -> ()
    %mul3A_21 = arith.constant 2 : i32
    %mul3A_22 = arith.muli %arg0, %mul3A_21 : i32
    %add3A_23 = arith.constant 1 : i32
    %add3A_24 = arith.addi %mul3A_22, %add3A_23 : i32
    "tpu.region"() ({
      %run_scoped3A = tpu.sem_alloc : memref<!tpu.dma_semaphore, #tpu.memory_space<semaphore_mem>>
      %dma_start3A = arith.constant 0 : i32
      %dma_start3A_46 = arith.constant 0 : i32
      %dma_start3A_47 = tpu.memref_slice %arg3[%add3A_24, %arg1, %dma_start3A, %dma_start3A_46] : memref<4x16x79x128xi32, #tpu.memory_space<hbm>> -> memref<1x1x79x128xi32, #tpu.memory_space<hbm>>
      %dma_start3A_48 = tpu.memref_squeeze %dma_start3A_47 : memref<1x1x79x128xi32, #tpu.memory_space<hbm>> -> memref<79x128xi32, #tpu.memory_space<hbm>>
      %dma_start3A_49 = arith.constant 0 : i32
      %dma_start3A_50 = arith.constant 0 : i32
      %dma_start3A_51 = tpu.memref_slice %arg3[%add3A_24, %arg1, %dma_start3A_49, %dma_start3A_50] : memref<4x16x79x128xi32, #tpu.memory_space<hbm>> -> memref<1x1x79x128xi32, #tpu.memory_space<hbm>>
      %dma_start3A_52 = tpu.memref_squeeze %dma_start3A_51 : memref<1x1x79x128xi32, #tpu.memory_space<hbm>> -> memref<79x128xi32, #tpu.memory_space<hbm>>
      tpu.enqueue_dma source(%dma_start3A_52 : memref<79x128xi32, #tpu.memory_space<hbm>>) target(%arg6 : memref<79x128xi32, #tpu.memory_space<vmem>>) target_semaphore(%run_scoped3A : memref<!tpu.dma_semaphore, #tpu.memory_space<semaphore_mem>>)
      %dma_wait3A = arith.constant 0 : i32
      %dma_wait3A_53 = arith.constant 0 : i32
      %dma_wait3A_54 = tpu.memref_slice %arg3[%add3A_24, %arg1, %dma_wait3A, %dma_wait3A_53] : memref<4x16x79x128xi32, #tpu.memory_space<hbm>> -> memref<1x1x79x128xi32, #tpu.memory_space<hbm>>
      %dma_wait3A_55 = tpu.memref_squeeze %dma_wait3A_54 : memref<1x1x79x128xi32, #tpu.memory_space<hbm>> -> memref<79x128xi32, #tpu.memory_space<hbm>>
      %dma_wait3A_56 = arith.constant 0 : i32
      %dma_wait3A_57 = arith.constant 0 : i32
      %dma_wait3A_58 = tpu.memref_slice %arg3[%add3A_24, %arg1, %dma_wait3A_56, %dma_wait3A_57] : memref<4x16x79x128xi32, #tpu.memory_space<hbm>> -> memref<1x1x79x128xi32, #tpu.memory_space<hbm>>
      %dma_wait3A_59 = tpu.memref_squeeze %dma_wait3A_58 : memref<1x1x79x128xi32, #tpu.memory_space<hbm>> -> memref<79x128xi32, #tpu.memory_space<hbm>>
      tpu.wait_dma2 semaphore(%run_scoped3A : memref<!tpu.dma_semaphore, #tpu.memory_space<semaphore_mem>>) src(%dma_wait3A_59 : memref<79x128xi32, #tpu.memory_space<hbm>>) dst(%arg6 : memref<79x128xi32, #tpu.memory_space<vmem>>)
      tpu.yield
    }) : () -> ()
    %mul3A_25 = arith.constant 10240 : i32
    %mul3A_26 = arith.muli %add3A_24, %mul3A_25 : i32
    %mul3A_27 = arith.constant 640 : i32
    %mul3A_28 = arith.muli %arg1, %mul3A_27 : i32
    %add3A_29 = arith.addi %mul3A_26, %mul3A_28 : i32
    %mul3A_30 = arith.constant 640 : i32
    %mul3A_31 = arith.muli %arg1, %mul3A_30 : i32
    "tpu.region"() ({
      %run_scoped3A = tpu.sem_alloc : memref<!tpu.dma_semaphore, #tpu.memory_space<semaphore_mem>>
      %dma_start3A = arith.constant 0 : i32
      %dma_start3A_46 = tpu.memref_slice %arg9[%mul3A_31, %dma_start3A] : memref<10240x128xf32, #tpu.memory_space<vmem_shared>> -> memref<640x128xf32, #tpu.memory_space<vmem_shared>>
      %dma_start3A_47 = arith.constant 0 : i32
      %dma_start3A_48 = tpu.memref_slice %arg2[%add3A_29, %dma_start3A_47] : memref<40960x128xf32, #tpu.memory_space<hbm>> -> memref<640x128xf32, #tpu.memory_space<hbm>>
      tpu.enqueue_dma source(%dma_start3A_48 : memref<640x128xf32, #tpu.memory_space<hbm>>) target(%dma_start3A_46 : memref<640x128xf32, #tpu.memory_space<vmem_shared>>) target_semaphore(%run_scoped3A : memref<!tpu.dma_semaphore, #tpu.memory_space<semaphore_mem>>)
      %dma_wait3A = arith.constant 0 : i32
      %dma_wait3A_49 = tpu.memref_slice %arg9[%mul3A_31, %dma_wait3A] : memref<10240x128xf32, #tpu.memory_space<vmem_shared>> -> memref<640x128xf32, #tpu.memory_space<vmem_shared>>
      %dma_wait3A_50 = arith.constant 0 : i32
      %dma_wait3A_51 = tpu.memref_slice %arg2[%add3A_29, %dma_wait3A_50] : memref<40960x128xf32, #tpu.memory_space<hbm>> -> memref<640x128xf32, #tpu.memory_space<hbm>>
      tpu.wait_dma2 semaphore(%run_scoped3A : memref<!tpu.dma_semaphore, #tpu.memory_space<semaphore_mem>>) src(%dma_wait3A_51 : memref<640x128xf32, #tpu.memory_space<hbm>>) dst(%dma_wait3A_49 : memref<640x128xf32, #tpu.memory_space<vmem_shared>>)
      tpu.yield
    }) : () -> ()
    %barrier3A_32 = arith.constant 0 : index
    tpu.barrier barrier_id(%barrier3A_32)
    %scan3A_33 = arith.constant 0 : i32
    %scan3A_34 = arith.constant 79 : i32
    %scan3A_35 = arith.addi %scan3A_33, %scan3A_34 : i32
    %scan3A_36 = arith.constant 1 : i32
    scf.for %scan3A_46 = %scan3A_33 to %scan3A_35 step %scan3A_36  : i32 {
      %mul3A_47 = arith.constant 1 : i32
      %mul3A_48 = arith.muli %scan3A_46, %mul3A_47 : i32
      %add3A_49 = arith.constant 0 : i32
      %add3A_50 = arith.addi %add3A_49, %mul3A_48 : i32
      %dma_start3A = arith.constant 0 : i32
      %dma_start3A_51 = tpu.memref_slice %arg6[%add3A_50, %dma_start3A] : memref<79x128xi32, #tpu.memory_space<vmem>> -> memref<1x128xi32, #tpu.memory_space<vmem>>
      %dma_start3A_52 = tpu.memref_squeeze %dma_start3A_51 : memref<1x128xi32, #tpu.memory_space<vmem>> -> memref<128xi32, #tpu.memory_space<vmem>>
      %dma_start3A_53 = arith.constant 0 : i32
      %dma_start3A_54 = arith.constant 0 : i32
      %dma_start3A_55 = tpu.memref_slice %arg2[%dma_start3A_53, %dma_start3A_54] : memref<40960x128xf32, #tpu.memory_space<hbm>> -> memref<40960x128xf32, #tpu.memory_space<hbm>>
      tpu.enqueue_indirect_dma source(%dma_start3A_55 : memref<40960x128xf32, #tpu.memory_space<hbm>>) target(%arg8 : memref<128x128xf32, #tpu.memory_space<vmem>>) offsets(%dma_start3A_52 : memref<128xi32, #tpu.memory_space<vmem>>) semaphore(%arg10 : memref<!tpu.dma_semaphore, #tpu.memory_space<semaphore_mem>>)
      %dma_wait3A = arith.constant 0 : i32
      %dma_wait3A_56 = tpu.memref_slice %arg6[%add3A_50, %dma_wait3A] : memref<79x128xi32, #tpu.memory_space<vmem>> -> memref<1x128xi32, #tpu.memory_space<vmem>>
      %dma_wait3A_57 = tpu.memref_squeeze %dma_wait3A_56 : memref<1x128xi32, #tpu.memory_space<vmem>> -> memref<128xi32, #tpu.memory_space<vmem>>
      %dma_wait3A_58 = arith.constant 0 : i32
      %dma_wait3A_59 = arith.constant 0 : i32
      %dma_wait3A_60 = tpu.memref_slice %arg2[%dma_wait3A_58, %dma_wait3A_59] : memref<40960x128xf32, #tpu.memory_space<hbm>> -> memref<40960x128xf32, #tpu.memory_space<hbm>>
      tpu.wait_indirect_dma semaphore(%arg10 : memref<!tpu.dma_semaphore, #tpu.memory_space<semaphore_mem>>) src(%dma_wait3A_60 : memref<40960x128xf32, #tpu.memory_space<hbm>>) dst(%arg8 : memref<128x128xf32, #tpu.memory_space<vmem>>)
      "tpu.region"() ({
        %run_scoped3A = tpu.sem_alloc : memref<!tpu.dma_semaphore, #tpu.memory_space<semaphore_mem>>
        %dma_start3A_61 = arith.constant 0 : i32
        %dma_start3A_62 = tpu.memref_slice %arg7[%add3A_50, %dma_start3A_61] : memref<79x128xi32, #tpu.memory_space<vmem>> -> memref<1x128xi32, #tpu.memory_space<vmem>>
        %dma_start3A_63 = tpu.memref_squeeze %dma_start3A_62 : memref<1x128xi32, #tpu.memory_space<vmem>> -> memref<128xi32, #tpu.memory_space<vmem>>
        %dma_start3A_64 = arith.constant 0 : i32
        %dma_start3A_65 = arith.constant 0 : i32
        %dma_start3A_66 = tpu.memref_slice %arg9[%dma_start3A_64, %dma_start3A_65] : memref<10240x128xf32, #tpu.memory_space<vmem_shared>> -> memref<10240x128xf32, #tpu.memory_space<vmem_shared>>
        tpu.enqueue_indirect_dma source(%arg8 : memref<128x128xf32, #tpu.memory_space<vmem>>) target(%dma_start3A_66 : memref<10240x128xf32, #tpu.memory_space<vmem_shared>>) offsets(%dma_start3A_63 : memref<128xi32, #tpu.memory_space<vmem>>) semaphore(%run_scoped3A : memref<!tpu.dma_semaphore, #tpu.memory_space<semaphore_mem>>) {add = true}
        %dma_wait3A_67 = arith.constant 0 : i32
        %dma_wait3A_68 = tpu.memref_slice %arg7[%add3A_50, %dma_wait3A_67] : memref<79x128xi32, #tpu.memory_space<vmem>> -> memref<1x128xi32, #tpu.memory_space<vmem>>
        %dma_wait3A_69 = tpu.memref_squeeze %dma_wait3A_68 : memref<1x128xi32, #tpu.memory_space<vmem>> -> memref<128xi32, #tpu.memory_space<vmem>>
        %dma_wait3A_70 = arith.constant 0 : i32
        %dma_wait3A_71 = arith.constant 0 : i32
        %dma_wait3A_72 = tpu.memref_slice %arg9[%dma_wait3A_70, %dma_wait3A_71] : memref<10240x128xf32, #tpu.memory_space<vmem_shared>> -> memref<10240x128xf32, #tpu.memory_space<vmem_shared>>
        tpu.wait_indirect_dma semaphore(%run_scoped3A : memref<!tpu.dma_semaphore, #tpu.memory_space<semaphore_mem>>) src(%arg8 : memref<128x128xf32, #tpu.memory_space<vmem>>) dst(%dma_wait3A_72 : memref<10240x128xf32, #tpu.memory_space<vmem_shared>>)
        tpu.yield
      }) : () -> ()
    }
    %scan3A_37 = arith.constant 79 : i32
    %barrier3A_38 = arith.constant 0 : index
    tpu.barrier barrier_id(%barrier3A_38)
    %mul3A_39 = arith.constant 640 : i32
    %mul3A_40 = arith.muli %arg1, %mul3A_39 : i32
    %mul3A_41 = arith.constant 10240 : i32
    %mul3A_42 = arith.muli %add3A_24, %mul3A_41 : i32
    %mul3A_43 = arith.constant 640 : i32
    %mul3A_44 = arith.muli %arg1, %mul3A_43 : i32
    %add3A_45 = arith.addi %mul3A_42, %mul3A_44 : i32
    "tpu.region"() ({
      %run_scoped3A = tpu.sem_alloc : memref<!tpu.dma_semaphore, #tpu.memory_space<semaphore_mem>>
      %dma_start3A = arith.constant 0 : i32
      %dma_start3A_46 = tpu.memref_slice %arg5[%add3A_45, %dma_start3A] : memref<40960x128xf32, #tpu.memory_space<hbm>> -> memref<640x128xf32, #tpu.memory_space<hbm>>
      %dma_start3A_47 = arith.constant 0 : i32
      %dma_start3A_48 = tpu.memref_slice %arg9[%mul3A_40, %dma_start3A_47] : memref<10240x128xf32, #tpu.memory_space<vmem_shared>> -> memref<640x128xf32, #tpu.memory_space<vmem_shared>>
      tpu.enqueue_dma source(%dma_start3A_48 : memref<640x128xf32, #tpu.memory_space<vmem_shared>>) target(%dma_start3A_46 : memref<640x128xf32, #tpu.memory_space<hbm>>) target_semaphore(%run_scoped3A : memref<!tpu.dma_semaphore, #tpu.memory_space<semaphore_mem>>)
      %dma_wait3A = arith.constant 0 : i32
      %dma_wait3A_49 = tpu.memref_slice %arg5[%add3A_45, %dma_wait3A] : memref<40960x128xf32, #tpu.memory_space<hbm>> -> memref<640x128xf32, #tpu.memory_space<hbm>>
      %dma_wait3A_50 = arith.constant 0 : i32
      %dma_wait3A_51 = tpu.memref_slice %arg9[%mul3A_40, %dma_wait3A_50] : memref<10240x128xf32, #tpu.memory_space<vmem_shared>> -> memref<640x128xf32, #tpu.memory_space<vmem_shared>>
      tpu.wait_dma2 semaphore(%run_scoped3A : memref<!tpu.dma_semaphore, #tpu.memory_space<semaphore_mem>>) src(%dma_wait3A_51 : memref<640x128xf32, #tpu.memory_space<vmem_shared>>) dst(%dma_wait3A_49 : memref<640x128xf32, #tpu.memory_space<hbm>>)
      tpu.yield
    }) : () -> ()
    return
  }
}

#map = affine_map<(d0, d1) -> (0, 0, 0, 0)>
#map1 = affine_map<(d0, d1) -> (0, 0)>
module attributes {stable_mosaic.version = 14 : i64} {
  func.func @k(%arg0: i32, %arg1: i32, %arg2: memref<2x16x40x128xi32, #tpu.memory_space<hbm>>, %arg3: memref<10240x128xf32, #tpu.memory_space<hbm>>, %arg4: memref<128x128xf32, #tpu.memory_space<hbm>>, %arg5: memref<20480x128xf32, #tpu.memory_space<hbm>>, %arg6: memref<40x128xi32, #tpu.memory_space<vmem>>, %arg7: memref<128x128xf32, #tpu.memory_space<vmem>>, %arg8: memref<10240x128xf32, #tpu.memory_space<vmem_shared>>) attributes {dimension_semantics = [#tpu.dimension_semantics<core_parallel>, #tpu.dimension_semantics<subcore_parallel>], iteration_bounds = array<i64: 2, 16>, scalar_prefetch = 0 : i64, scratch_operands = 3 : i64, tpu.core_type = #tpu.core_type<sc_vector_subcore>, window_params = [{transform_indices = #map}, {transform_indices = #map1}, {transform_indices = #map1}, {transform_indices = #map1}]} {
    "tpu.region"() ({
      %run_scoped3A = tpu.sem_alloc : memref<!tpu.dma_semaphore, #tpu.memory_space<semaphore_mem>>
      tpu.enqueue_dma source(%arg4 : memref<128x128xf32, #tpu.memory_space<hbm>>) target(%arg7 : memref<128x128xf32, #tpu.memory_space<vmem>>) target_semaphore(%run_scoped3A : memref<!tpu.dma_semaphore, #tpu.memory_space<semaphore_mem>>)
      tpu.wait_dma2 semaphore(%run_scoped3A : memref<!tpu.dma_semaphore, #tpu.memory_space<semaphore_mem>>) src(%arg4 : memref<128x128xf32, #tpu.memory_space<hbm>>) dst(%arg7 : memref<128x128xf32, #tpu.memory_space<vmem>>)
      tpu.yield
    }) : () -> ()
    %mul3A = arith.constant 640 : i32
    %mul3A_0 = arith.muli %arg1, %mul3A : i32
    %mul3A_1 = arith.constant 640 : i32
    %mul3A_2 = arith.muli %arg1, %mul3A_1 : i32
    "tpu.region"() ({
      %run_scoped3A = tpu.sem_alloc : memref<!tpu.dma_semaphore, #tpu.memory_space<semaphore_mem>>
      %dma_start3A = arith.constant 0 : i32
      %dma_start3A_14 = tpu.memref_slice %arg8[%mul3A_2, %dma_start3A] : memref<10240x128xf32, #tpu.memory_space<vmem_shared>> -> memref<640x128xf32, #tpu.memory_space<vmem_shared>>
      %dma_start3A_15 = arith.constant 0 : i32
      %dma_start3A_16 = tpu.memref_slice %arg3[%mul3A_0, %dma_start3A_15] : memref<10240x128xf32, #tpu.memory_space<hbm>> -> memref<640x128xf32, #tpu.memory_space<hbm>>
      tpu.enqueue_dma source(%dma_start3A_16 : memref<640x128xf32, #tpu.memory_space<hbm>>) target(%dma_start3A_14 : memref<640x128xf32, #tpu.memory_space<vmem_shared>>) target_semaphore(%run_scoped3A : memref<!tpu.dma_semaphore, #tpu.memory_space<semaphore_mem>>)
      %dma_wait3A = arith.constant 0 : i32
      %dma_wait3A_17 = tpu.memref_slice %arg8[%mul3A_2, %dma_wait3A] : memref<10240x128xf32, #tpu.memory_space<vmem_shared>> -> memref<640x128xf32, #tpu.memory_space<vmem_shared>>
      %dma_wait3A_18 = arith.constant 0 : i32
      %dma_wait3A_19 = tpu.memref_slice %arg3[%mul3A_0, %dma_wait3A_18] : memref<10240x128xf32, #tpu.memory_space<hbm>> -> memref<640x128xf32, #tpu.memory_space<hbm>>
      tpu.wait_dma2 semaphore(%run_scoped3A : memref<!tpu.dma_semaphore, #tpu.memory_space<semaphore_mem>>) src(%dma_wait3A_19 : memref<640x128xf32, #tpu.memory_space<hbm>>) dst(%dma_wait3A_17 : memref<640x128xf32, #tpu.memory_space<vmem_shared>>)
      tpu.yield
    }) : () -> ()
    "tpu.region"() ({
      %run_scoped3A = tpu.sem_alloc : memref<!tpu.dma_semaphore, #tpu.memory_space<semaphore_mem>>
      %dma_start3A = arith.constant 0 : i32
      %dma_start3A_14 = arith.constant 0 : i32
      %dma_start3A_15 = tpu.memref_slice %arg2[%arg0, %arg1, %dma_start3A, %dma_start3A_14] : memref<2x16x40x128xi32, #tpu.memory_space<hbm>> -> memref<1x1x40x128xi32, #tpu.memory_space<hbm>>
      %dma_start3A_16 = tpu.memref_squeeze %dma_start3A_15 : memref<1x1x40x128xi32, #tpu.memory_space<hbm>> -> memref<40x128xi32, #tpu.memory_space<hbm>>
      %dma_start3A_17 = arith.constant 0 : i32
      %dma_start3A_18 = arith.constant 0 : i32
      %dma_start3A_19 = tpu.memref_slice %arg2[%arg0, %arg1, %dma_start3A_17, %dma_start3A_18] : memref<2x16x40x128xi32, #tpu.memory_space<hbm>> -> memref<1x1x40x128xi32, #tpu.memory_space<hbm>>
      %dma_start3A_20 = tpu.memref_squeeze %dma_start3A_19 : memref<1x1x40x128xi32, #tpu.memory_space<hbm>> -> memref<40x128xi32, #tpu.memory_space<hbm>>
      tpu.enqueue_dma source(%dma_start3A_20 : memref<40x128xi32, #tpu.memory_space<hbm>>) target(%arg6 : memref<40x128xi32, #tpu.memory_space<vmem>>) target_semaphore(%run_scoped3A : memref<!tpu.dma_semaphore, #tpu.memory_space<semaphore_mem>>)
      %dma_wait3A = arith.constant 0 : i32
      %dma_wait3A_21 = arith.constant 0 : i32
      %dma_wait3A_22 = tpu.memref_slice %arg2[%arg0, %arg1, %dma_wait3A, %dma_wait3A_21] : memref<2x16x40x128xi32, #tpu.memory_space<hbm>> -> memref<1x1x40x128xi32, #tpu.memory_space<hbm>>
      %dma_wait3A_23 = tpu.memref_squeeze %dma_wait3A_22 : memref<1x1x40x128xi32, #tpu.memory_space<hbm>> -> memref<40x128xi32, #tpu.memory_space<hbm>>
      %dma_wait3A_24 = arith.constant 0 : i32
      %dma_wait3A_25 = arith.constant 0 : i32
      %dma_wait3A_26 = tpu.memref_slice %arg2[%arg0, %arg1, %dma_wait3A_24, %dma_wait3A_25] : memref<2x16x40x128xi32, #tpu.memory_space<hbm>> -> memref<1x1x40x128xi32, #tpu.memory_space<hbm>>
      %dma_wait3A_27 = tpu.memref_squeeze %dma_wait3A_26 : memref<1x1x40x128xi32, #tpu.memory_space<hbm>> -> memref<40x128xi32, #tpu.memory_space<hbm>>
      tpu.wait_dma2 semaphore(%run_scoped3A : memref<!tpu.dma_semaphore, #tpu.memory_space<semaphore_mem>>) src(%dma_wait3A_27 : memref<40x128xi32, #tpu.memory_space<hbm>>) dst(%arg6 : memref<40x128xi32, #tpu.memory_space<vmem>>)
      tpu.yield
    }) : () -> ()
    %barrier3A = arith.constant 0 : index
    tpu.barrier barrier_id(%barrier3A)
    %scan3A = arith.constant 0 : i32
    %scan3A_3 = arith.constant 40 : i32
    %scan3A_4 = arith.addi %scan3A, %scan3A_3 : i32
    %scan3A_5 = arith.constant 1 : i32
    scf.for %scan3A_14 = %scan3A to %scan3A_4 step %scan3A_5  : i32 {
      %mul3A_15 = arith.constant 1 : i32
      %mul3A_16 = arith.muli %scan3A_14, %mul3A_15 : i32
      %add3A_17 = arith.constant 0 : i32
      %add3A_18 = arith.addi %add3A_17, %mul3A_16 : i32
      "tpu.region"() ({
        %run_scoped3A = tpu.sem_alloc : memref<!tpu.dma_semaphore, #tpu.memory_space<semaphore_mem>>
        %dma_start3A = arith.constant 0 : i32
        %dma_start3A_19 = tpu.memref_slice %arg6[%add3A_18, %dma_start3A] : memref<40x128xi32, #tpu.memory_space<vmem>> -> memref<1x128xi32, #tpu.memory_space<vmem>>
        %dma_start3A_20 = tpu.memref_squeeze %dma_start3A_19 : memref<1x128xi32, #tpu.memory_space<vmem>> -> memref<128xi32, #tpu.memory_space<vmem>>
        %dma_start3A_21 = arith.constant 0 : i32
        %dma_start3A_22 = arith.constant 0 : i32
        %dma_start3A_23 = tpu.memref_slice %arg8[%dma_start3A_21, %dma_start3A_22] : memref<10240x128xf32, #tpu.memory_space<vmem_shared>> -> memref<10240x128xf32, #tpu.memory_space<vmem_shared>>
        tpu.enqueue_indirect_dma source(%arg7 : memref<128x128xf32, #tpu.memory_space<vmem>>) target(%dma_start3A_23 : memref<10240x128xf32, #tpu.memory_space<vmem_shared>>) offsets(%dma_start3A_20 : memref<128xi32, #tpu.memory_space<vmem>>) semaphore(%run_scoped3A : memref<!tpu.dma_semaphore, #tpu.memory_space<semaphore_mem>>) {add = true}
        %dma_wait3A = arith.constant 0 : i32
        %dma_wait3A_24 = tpu.memref_slice %arg6[%add3A_18, %dma_wait3A] : memref<40x128xi32, #tpu.memory_space<vmem>> -> memref<1x128xi32, #tpu.memory_space<vmem>>
        %dma_wait3A_25 = tpu.memref_squeeze %dma_wait3A_24 : memref<1x128xi32, #tpu.memory_space<vmem>> -> memref<128xi32, #tpu.memory_space<vmem>>
        %dma_wait3A_26 = arith.constant 0 : i32
        %dma_wait3A_27 = arith.constant 0 : i32
        %dma_wait3A_28 = tpu.memref_slice %arg8[%dma_wait3A_26, %dma_wait3A_27] : memref<10240x128xf32, #tpu.memory_space<vmem_shared>> -> memref<10240x128xf32, #tpu.memory_space<vmem_shared>>
        tpu.wait_indirect_dma semaphore(%run_scoped3A : memref<!tpu.dma_semaphore, #tpu.memory_space<semaphore_mem>>) src(%arg7 : memref<128x128xf32, #tpu.memory_space<vmem>>) dst(%dma_wait3A_28 : memref<10240x128xf32, #tpu.memory_space<vmem_shared>>)
        tpu.yield
      }) : () -> ()
    }
    %scan3A_6 = arith.constant 40 : i32
    %barrier3A_7 = arith.constant 0 : index
    tpu.barrier barrier_id(%barrier3A_7)
    %mul3A_8 = arith.constant 640 : i32
    %mul3A_9 = arith.muli %arg1, %mul3A_8 : i32
    %mul3A_10 = arith.constant 10240 : i32
    %mul3A_11 = arith.muli %arg0, %mul3A_10 : i32
    %mul3A_12 = arith.constant 640 : i32
    %mul3A_13 = arith.muli %arg1, %mul3A_12 : i32
    %add3A = arith.addi %mul3A_11, %mul3A_13 : i32
    "tpu.region"() ({
      %run_scoped3A = tpu.sem_alloc : memref<!tpu.dma_semaphore, #tpu.memory_space<semaphore_mem>>
      %dma_start3A = arith.constant 0 : i32
      %dma_start3A_14 = tpu.memref_slice %arg5[%add3A, %dma_start3A] : memref<20480x128xf32, #tpu.memory_space<hbm>> -> memref<640x128xf32, #tpu.memory_space<hbm>>
      %dma_start3A_15 = arith.constant 0 : i32
      %dma_start3A_16 = tpu.memref_slice %arg8[%mul3A_9, %dma_start3A_15] : memref<10240x128xf32, #tpu.memory_space<vmem_shared>> -> memref<640x128xf32, #tpu.memory_space<vmem_shared>>
      tpu.enqueue_dma source(%dma_start3A_16 : memref<640x128xf32, #tpu.memory_space<vmem_shared>>) target(%dma_start3A_14 : memref<640x128xf32, #tpu.memory_space<hbm>>) target_semaphore(%run_scoped3A : memref<!tpu.dma_semaphore, #tpu.memory_space<semaphore_mem>>)
      %dma_wait3A = arith.constant 0 : i32
      %dma_wait3A_17 = tpu.memref_slice %arg5[%add3A, %dma_wait3A] : memref<20480x128xf32, #tpu.memory_space<hbm>> -> memref<640x128xf32, #tpu.memory_space<hbm>>
      %dma_wait3A_18 = arith.constant 0 : i32
      %dma_wait3A_19 = tpu.memref_slice %arg8[%mul3A_9, %dma_wait3A_18] : memref<10240x128xf32, #tpu.memory_space<vmem_shared>> -> memref<640x128xf32, #tpu.memory_space<vmem_shared>>
      tpu.wait_dma2 semaphore(%run_scoped3A : memref<!tpu.dma_semaphore, #tpu.memory_space<semaphore_mem>>) src(%dma_wait3A_19 : memref<640x128xf32, #tpu.memory_space<vmem_shared>>) dst(%dma_wait3A_17 : memref<640x128xf32, #tpu.memory_space<hbm>>)
      tpu.yield
    }) : () -> ()
    return
  }
}

#map = affine_map<(d0, d1) -> (0, 0)>
#map1 = affine_map<(d0, d1) -> (0, 0, 0, 0)>
#map2 = affine_map<(d0, d1) -> (0, 0, 0)>
module attributes {stable_mosaic.version = 14 : i64} {
  func.func @k(%arg0: i32, %arg1: i32, %arg2: memref<40960x128xf32, #tpu.memory_space<hbm>>, %arg3: memref<4x16x79x128xi32, #tpu.memory_space<hbm>>, %arg4: memref<16x79x128xi32, #tpu.memory_space<hbm>>, %arg5: memref<40960x128xf32, #tpu.memory_space<hbm>>, %arg6: memref<79x128xi32, #tpu.memory_space<vmem>>, %arg7: memref<79x128xi32, #tpu.memory_space<vmem>>, %arg8: memref<128x128xf32, #tpu.memory_space<vmem>>, %arg9: memref<10240x128xf32, #tpu.memory_space<vmem_shared>>, %arg10: memref<!tpu.dma_semaphore, #tpu.memory_space<semaphore_mem>>) attributes {dimension_semantics = [#tpu.dimension_semantics<core_parallel>, #tpu.dimension_semantics<subcore_parallel>], iteration_bounds = array<i64: 2, 16>, scalar_prefetch = 0 : i64, scratch_operands = 5 : i64, tpu.core_type = #tpu.core_type<sc_vector_subcore>, window_params = [{transform_indices = #map}, {transform_indices = #map1}, {transform_indices = #map2}, {transform_indices = #map}]} {
    "tpu.region"() ({
      %run_scoped3A = tpu.sem_alloc : memref<!tpu.dma_semaphore, #tpu.memory_space<semaphore_mem>>
      %dma_start3A = arith.constant 0 : i32
      %dma_start3A_46 = arith.constant 0 : i32
      %dma_start3A_47 = tpu.memref_slice %arg4[%arg1, %dma_start3A, %dma_start3A_46] : memref<16x79x128xi32, #tpu.memory_space<hbm>> -> memref<1x79x128xi32, #tpu.memory_space<hbm>>
      %dma_start3A_48 = tpu.memref_squeeze %dma_start3A_47 : memref<1x79x128xi32, #tpu.memory_space<hbm>> -> memref<79x128xi32, #tpu.memory_space<hbm>>
      %dma_start3A_49 = arith.constant 0 : i32
      %dma_start3A_50 = arith.constant 0 : i32
      %dma_start3A_51 = tpu.memref_slice %arg4[%arg1, %dma_start3A_49, %dma_start3A_50] : memref<16x79x128xi32, #tpu.memory_space<hbm>> -> memref<1x79x128xi32, #tpu.memory_space<hbm>>
      %dma_start3A_52 = tpu.memref_squeeze %dma_start3A_51 : memref<1x79x128xi32, #tpu.memory_space<hbm>> -> memref<79x128xi32, #tpu.memory_space<hbm>>
      tpu.enqueue_dma source(%dma_start3A_52 : memref<79x128xi32, #tpu.memory_space<hbm>>) target(%arg7 : memref<79x128xi32, #tpu.memory_space<vmem>>) target_semaphore(%run_scoped3A : memref<!tpu.dma_semaphore, #tpu.memory_space<semaphore_mem>>)
      %dma_wait3A = arith.constant 0 : i32
      %dma_wait3A_53 = arith.constant 0 : i32
      %dma_wait3A_54 = tpu.memref_slice %arg4[%arg1, %dma_wait3A, %dma_wait3A_53] : memref<16x79x128xi32, #tpu.memory_space<hbm>> -> memref<1x79x128xi32, #tpu.memory_space<hbm>>
      %dma_wait3A_55 = tpu.memref_squeeze %dma_wait3A_54 : memref<1x79x128xi32, #tpu.memory_space<hbm>> -> memref<79x128xi32, #tpu.memory_space<hbm>>
      %dma_wait3A_56 = arith.constant 0 : i32
      %dma_wait3A_57 = arith.constant 0 : i32
      %dma_wait3A_58 = tpu.memref_slice %arg4[%arg1, %dma_wait3A_56, %dma_wait3A_57] : memref<16x79x128xi32, #tpu.memory_space<hbm>> -> memref<1x79x128xi32, #tpu.memory_space<hbm>>
      %dma_wait3A_59 = tpu.memref_squeeze %dma_wait3A_58 : memref<1x79x128xi32, #tpu.memory_space<hbm>> -> memref<79x128xi32, #tpu.memory_space<hbm>>
      tpu.wait_dma2 semaphore(%run_scoped3A : memref<!tpu.dma_semaphore, #tpu.memory_space<semaphore_mem>>) src(%dma_wait3A_59 : memref<79x128xi32, #tpu.memory_space<hbm>>) dst(%arg7 : memref<79x128xi32, #tpu.memory_space<vmem>>)
      tpu.yield
    }) : () -> ()
    %mul3A = arith.constant 2 : i32
    %mul3A_0 = arith.muli %arg0, %mul3A : i32
    %add3A = arith.constant 0 : i32
    %add3A_1 = arith.addi %mul3A_0, %add3A : i32
    "tpu.region"() ({
      %run_scoped3A = tpu.sem_alloc : memref<!tpu.dma_semaphore, #tpu.memory_space<semaphore_mem>>
      %dma_start3A = arith.constant 0 : i32
      %dma_start3A_46 = arith.constant 0 : i32
      %dma_start3A_47 = tpu.memref_slice %arg3[%add3A_1, %arg1, %dma_start3A, %dma_start3A_46] : memref<4x16x79x128xi32, #tpu.memory_space<hbm>> -> memref<1x1x79x128xi32, #tpu.memory_space<hbm>>
      %dma_start3A_48 = tpu.memref_squeeze %dma_start3A_47 : memref<1x1x79x128xi32, #tpu.memory_space<hbm>> -> memref<79x128xi32, #tpu.memory_space<hbm>>
      %dma_start3A_49 = arith.constant 0 : i32
      %dma_start3A_50 = arith.constant 0 : i32
      %dma_start3A_51 = tpu.memref_slice %arg3[%add3A_1, %arg1, %dma_start3A_49, %dma_start3A_50] : memref<4x16x79x128xi32, #tpu.memory_space<hbm>> -> memref<1x1x79x128xi32, #tpu.memory_space<hbm>>
      %dma_start3A_52 = tpu.memref_squeeze %dma_start3A_51 : memref<1x1x79x128xi32, #tpu.memory_space<hbm>> -> memref<79x128xi32, #tpu.memory_space<hbm>>
      tpu.enqueue_dma source(%dma_start3A_52 : memref<79x128xi32, #tpu.memory_space<hbm>>) target(%arg6 : memref<79x128xi32, #tpu.memory_space<vmem>>) target_semaphore(%run_scoped3A : memref<!tpu.dma_semaphore, #tpu.memory_space<semaphore_mem>>)
      %dma_wait3A = arith.constant 0 : i32
      %dma_wait3A_53 = arith.constant 0 : i32
      %dma_wait3A_54 = tpu.memref_slice %arg3[%add3A_1, %arg1, %dma_wait3A, %dma_wait3A_53] : memref<4x16x79x128xi32, #tpu.memory_space<hbm>> -> memref<1x1x79x128xi32, #tpu.memory_space<hbm>>
      %dma_wait3A_55 = tpu.memref_squeeze %dma_wait3A_54 : memref<1x1x79x128xi32, #tpu.memory_space<hbm>> -> memref<79x128xi32, #tpu.memory_space<hbm>>
      %dma_wait3A_56 = arith.constant 0 : i32
      %dma_wait3A_57 = arith.constant 0 : i32
      %dma_wait3A_58 = tpu.memref_slice %arg3[%add3A_1, %arg1, %dma_wait3A_56, %dma_wait3A_57] : memref<4x16x79x128xi32, #tpu.memory_space<hbm>> -> memref<1x1x79x128xi32, #tpu.memory_space<hbm>>
      %dma_wait3A_59 = tpu.memref_squeeze %dma_wait3A_58 : memref<1x1x79x128xi32, #tpu.memory_space<hbm>> -> memref<79x128xi32, #tpu.memory_space<hbm>>
      tpu.wait_dma2 semaphore(%run_scoped3A : memref<!tpu.dma_semaphore, #tpu.memory_space<semaphore_mem>>) src(%dma_wait3A_59 : memref<79x128xi32, #tpu.memory_space<hbm>>) dst(%arg6 : memref<79x128xi32, #tpu.memory_space<vmem>>)
      tpu.yield
    }) : () -> ()
    %mul3A_2 = arith.constant 10240 : i32
    %mul3A_3 = arith.muli %add3A_1, %mul3A_2 : i32
    %mul3A_4 = arith.constant 640 : i32
    %mul3A_5 = arith.muli %arg1, %mul3A_4 : i32
    %add3A_6 = arith.addi %mul3A_3, %mul3A_5 : i32
    %mul3A_7 = arith.constant 640 : i32
    %mul3A_8 = arith.muli %arg1, %mul3A_7 : i32
    "tpu.region"() ({
      %run_scoped3A = tpu.sem_alloc : memref<!tpu.dma_semaphore, #tpu.memory_space<semaphore_mem>>
      %dma_start3A = arith.constant 0 : i32
      %dma_start3A_46 = tpu.memref_slice %arg9[%mul3A_8, %dma_start3A] : memref<10240x128xf32, #tpu.memory_space<vmem_shared>> -> memref<640x128xf32, #tpu.memory_space<vmem_shared>>
      %dma_start3A_47 = arith.constant 0 : i32
      %dma_start3A_48 = tpu.memref_slice %arg2[%add3A_6, %dma_start3A_47] : memref<40960x128xf32, #tpu.memory_space<hbm>> -> memref<640x128xf32, #tpu.memory_space<hbm>>
      tpu.enqueue_dma source(%dma_start3A_48 : memref<640x128xf32, #tpu.memory_space<hbm>>) target(%dma_start3A_46 : memref<640x128xf32, #tpu.memory_space<vmem_shared>>) target_semaphore(%run_scoped3A : memref<!tpu.dma_semaphore, #tpu.memory_space<semaphore_mem>>)
      %dma_wait3A = arith.constant 0 : i32
      %dma_wait3A_49 = tpu.memref_slice %arg9[%mul3A_8, %dma_wait3A] : memref<10240x128xf32, #tpu.memory_space<vmem_shared>> -> memref<640x128xf32, #tpu.memory_space<vmem_shared>>
      %dma_wait3A_50 = arith.constant 0 : i32
      %dma_wait3A_51 = tpu.memref_slice %arg2[%add3A_6, %dma_wait3A_50] : memref<40960x128xf32, #tpu.memory_space<hbm>> -> memref<640x128xf32, #tpu.memory_space<hbm>>
      tpu.wait_dma2 semaphore(%run_scoped3A : memref<!tpu.dma_semaphore, #tpu.memory_space<semaphore_mem>>) src(%dma_wait3A_51 : memref<640x128xf32, #tpu.memory_space<hbm>>) dst(%dma_wait3A_49 : memref<640x128xf32, #tpu.memory_space<vmem_shared>>)
      tpu.yield
    }) : () -> ()
    %barrier3A = arith.constant 0 : index
    tpu.barrier barrier_id(%barrier3A)
    %scan3A = arith.constant 0 : i32
    %scan3A_9 = arith.constant 79 : i32
    %scan3A_10 = arith.addi %scan3A, %scan3A_9 : i32
    %scan3A_11 = arith.constant 1 : i32
    scf.for %scan3A_46 = %scan3A to %scan3A_10 step %scan3A_11  : i32 {
      %mul3A_47 = arith.constant 1 : i32
      %mul3A_48 = arith.muli %scan3A_46, %mul3A_47 : i32
      %add3A_49 = arith.constant 0 : i32
      %add3A_50 = arith.addi %add3A_49, %mul3A_48 : i32
      %dma_start3A = arith.constant 0 : i32
      %dma_start3A_51 = tpu.memref_slice %arg6[%add3A_50, %dma_start3A] : memref<79x128xi32, #tpu.memory_space<vmem>> -> memref<1x128xi32, #tpu.memory_space<vmem>>
      %dma_start3A_52 = tpu.memref_squeeze %dma_start3A_51 : memref<1x128xi32, #tpu.memory_space<vmem>> -> memref<128xi32, #tpu.memory_space<vmem>>
      %dma_start3A_53 = arith.constant 0 : i32
      %dma_start3A_54 = arith.constant 0 : i32
      %dma_start3A_55 = tpu.memref_slice %arg2[%dma_start3A_53, %dma_start3A_54] : memref<40960x128xf32, #tpu.memory_space<hbm>> -> memref<40960x128xf32, #tpu.memory_space<hbm>>
      tpu.enqueue_indirect_dma source(%dma_start3A_55 : memref<40960x128xf32, #tpu.memory_space<hbm>>) target(%arg8 : memref<128x128xf32, #tpu.memory_space<vmem>>) offsets(%dma_start3A_52 : memref<128xi32, #tpu.memory_space<vmem>>) semaphore(%arg10 : memref<!tpu.dma_semaphore, #tpu.memory_space<semaphore_mem>>)
      %dma_wait3A = arith.constant 0 : i32
      %dma_wait3A_56 = tpu.memref_slice %arg6[%add3A_50, %dma_wait3A] : memref<79x128xi32, #tpu.memory_space<vmem>> -> memref<1x128xi32, #tpu.memory_space<vmem>>
      %dma_wait3A_57 = tpu.memref_squeeze %dma_wait3A_56 : memref<1x128xi32, #tpu.memory_space<vmem>> -> memref<128xi32, #tpu.memory_space<vmem>>
      %dma_wait3A_58 = arith.constant 0 : i32
      %dma_wait3A_59 = arith.constant 0 : i32
      %dma_wait3A_60 = tpu.memref_slice %arg2[%dma_wait3A_58, %dma_wait3A_59] : memref<40960x128xf32, #tpu.memory_space<hbm>> -> memref<40960x128xf32, #tpu.memory_space<hbm>>
      tpu.wait_indirect_dma semaphore(%arg10 : memref<!tpu.dma_semaphore, #tpu.memory_space<semaphore_mem>>) src(%dma_wait3A_60 : memref<40960x128xf32, #tpu.memory_space<hbm>>) dst(%arg8 : memref<128x128xf32, #tpu.memory_space<vmem>>)
      "tpu.region"() ({
        %run_scoped3A = tpu.sem_alloc : memref<!tpu.dma_semaphore, #tpu.memory_space<semaphore_mem>>
        %dma_start3A_61 = arith.constant 0 : i32
        %dma_start3A_62 = tpu.memref_slice %arg7[%add3A_50, %dma_start3A_61] : memref<79x128xi32, #tpu.memory_space<vmem>> -> memref<1x128xi32, #tpu.memory_space<vmem>>
        %dma_start3A_63 = tpu.memref_squeeze %dma_start3A_62 : memref<1x128xi32, #tpu.memory_space<vmem>> -> memref<128xi32, #tpu.memory_space<vmem>>
        %dma_start3A_64 = arith.constant 0 : i32
        %dma_start3A_65 = arith.constant 0 : i32
        %dma_start3A_66 = tpu.memref_slice %arg9[%dma_start3A_64, %dma_start3A_65] : memref<10240x128xf32, #tpu.memory_space<vmem_shared>> -> memref<10240x128xf32, #tpu.memory_space<vmem_shared>>
        tpu.enqueue_indirect_dma source(%arg8 : memref<128x128xf32, #tpu.memory_space<vmem>>) target(%dma_start3A_66 : memref<10240x128xf32, #tpu.memory_space<vmem_shared>>) offsets(%dma_start3A_63 : memref<128xi32, #tpu.memory_space<vmem>>) semaphore(%run_scoped3A : memref<!tpu.dma_semaphore, #tpu.memory_space<semaphore_mem>>) {add = true}
        %dma_wait3A_67 = arith.constant 0 : i32
        %dma_wait3A_68 = tpu.memref_slice %arg7[%add3A_50, %dma_wait3A_67] : memref<79x128xi32, #tpu.memory_space<vmem>> -> memref<1x128xi32, #tpu.memory_space<vmem>>
        %dma_wait3A_69 = tpu.memref_squeeze %dma_wait3A_68 : memref<1x128xi32, #tpu.memory_space<vmem>> -> memref<128xi32, #tpu.memory_space<vmem>>
        %dma_wait3A_70 = arith.constant 0 : i32
        %dma_wait3A_71 = arith.constant 0 : i32
        %dma_wait3A_72 = tpu.memref_slice %arg9[%dma_wait3A_70, %dma_wait3A_71] : memref<10240x128xf32, #tpu.memory_space<vmem_shared>> -> memref<10240x128xf32, #tpu.memory_space<vmem_shared>>
        tpu.wait_indirect_dma semaphore(%run_scoped3A : memref<!tpu.dma_semaphore, #tpu.memory_space<semaphore_mem>>) src(%arg8 : memref<128x128xf32, #tpu.memory_space<vmem>>) dst(%dma_wait3A_72 : memref<10240x128xf32, #tpu.memory_space<vmem_shared>>)
        tpu.yield
      }) : () -> ()
    }
    %scan3A_12 = arith.constant 79 : i32
    %barrier3A_13 = arith.constant 0 : index
    tpu.barrier barrier_id(%barrier3A_13)
    %mul3A_14 = arith.constant 640 : i32
    %mul3A_15 = arith.muli %arg1, %mul3A_14 : i32
    %mul3A_16 = arith.constant 10240 : i32
    %mul3A_17 = arith.muli %add3A_1, %mul3A_16 : i32
    %mul3A_18 = arith.constant 640 : i32
    %mul3A_19 = arith.muli %arg1, %mul3A_18 : i32
    %add3A_20 = arith.addi %mul3A_17, %mul3A_19 : i32
    "tpu.region"() ({
      %run_scoped3A = tpu.sem_alloc : memref<!tpu.dma_semaphore, #tpu.memory_space<semaphore_mem>>
      %dma_start3A = arith.constant 0 : i32
      %dma_start3A_46 = tpu.memref_slice %arg5[%add3A_20, %dma_start3A] : memref<40960x128xf32, #tpu.memory_space<hbm>> -> memref<640x128xf32, #tpu.memory_space<hbm>>
      %dma_start3A_47 = arith.constant 0 : i32
      %dma_start3A_48 = tpu.memref_slice %arg9[%mul3A_15, %dma_start3A_47] : memref<10240x128xf32, #tpu.memory_space<vmem_shared>> -> memref<640x128xf32, #tpu.memory_space<vmem_shared>>
      tpu.enqueue_dma source(%dma_start3A_48 : memref<640x128xf32, #tpu.memory_space<vmem_shared>>) target(%dma_start3A_46 : memref<640x128xf32, #tpu.memory_space<hbm>>) target_semaphore(%run_scoped3A : memref<!tpu.dma_semaphore, #tpu.memory_space<semaphore_mem>>)
      %dma_wait3A = arith.constant 0 : i32
      %dma_wait3A_49 = tpu.memref_slice %arg5[%add3A_20, %dma_wait3A] : memref<40960x128xf32, #tpu.memory_space<hbm>> -> memref<640x128xf32, #tpu.memory_space<hbm>>
      %dma_wait3A_50 = arith.constant 0 : i32
      %dma_wait3A_51 = tpu.memref_slice %arg9[%mul3A_15, %dma_wait3A_50] : memref<10240x128xf32, #tpu.memory_space<vmem_shared>> -> memref<640x128xf32, #tpu.memory_space<vmem_shared>>
      tpu.wait_dma2 semaphore(%run_scoped3A : memref<!tpu.dma_semaphore, #tpu.memory_space<semaphore_mem>>) src(%dma_wait3A_51 : memref<640x128xf32, #tpu.memory_space<vmem_shared>>) dst(%dma_wait3A_49 : memref<640x128xf32, #tpu.memory_space<hbm>>)
      tpu.yield
    }) : () -> ()
    %mul3A_21 = arith.constant 2 : i32
    %mul3A_22 = arith.muli %arg0, %mul3A_21 : i32
    %add3A_23 = arith.constant 1 : i32
    %add3A_24 = arith.addi %mul3A_22, %add3A_23 : i32
    "tpu.region"() ({
      %run_scoped3A = tpu.sem_alloc : memref<!tpu.dma_semaphore, #tpu.memory_space<semaphore_mem>>
      %dma_start3A = arith.constant 0 : i32
      %dma_start3A_46 = arith.constant 0 : i32
      %dma_start3A_47 = tpu.memref_slice %arg3[%add3A_24, %arg1, %dma_start3A, %dma_start3A_46] : memref<4x16x79x128xi32, #tpu.memory_space<hbm>> -> memref<1x1x79x128xi32, #tpu.memory_space<hbm>>
      %dma_start3A_48 = tpu.memref_squeeze %dma_start3A_47 : memref<1x1x79x128xi32, #tpu.memory_space<hbm>> -> memref<79x128xi32, #tpu.memory_space<hbm>>
      %dma_start3A_49 = arith.constant 0 : i32
      %dma_start3A_50 = arith.constant 0 : i32
      %dma_start3A_51 = tpu.memref_slice %arg3[%add3A_24, %arg1, %dma_start3A_49, %dma_start3A_50] : memref<4x16x79x128xi32, #tpu.memory_space<hbm>> -> memref<1x1x79x128xi32, #tpu.memory_space<hbm>>
      %dma_start3A_52 = tpu.memref_squeeze %dma_start3A_51 : memref<1x1x79x128xi32, #tpu.memory_space<hbm>> -> memref<79x128xi32, #tpu.memory_space<hbm>>
      tpu.enqueue_dma source(%dma_start3A_52 : memref<79x128xi32, #tpu.memory_space<hbm>>) target(%arg6 : memref<79x128xi32, #tpu.memory_space<vmem>>) target_semaphore(%run_scoped3A : memref<!tpu.dma_semaphore, #tpu.memory_space<semaphore_mem>>)
      %dma_wait3A = arith.constant 0 : i32
      %dma_wait3A_53 = arith.constant 0 : i32
      %dma_wait3A_54 = tpu.memref_slice %arg3[%add3A_24, %arg1, %dma_wait3A, %dma_wait3A_53] : memref<4x16x79x128xi32, #tpu.memory_space<hbm>> -> memref<1x1x79x128xi32, #tpu.memory_space<hbm>>
      %dma_wait3A_55 = tpu.memref_squeeze %dma_wait3A_54 : memref<1x1x79x128xi32, #tpu.memory_space<hbm>> -> memref<79x128xi32, #tpu.memory_space<hbm>>
      %dma_wait3A_56 = arith.constant 0 : i32
      %dma_wait3A_57 = arith.constant 0 : i32
      %dma_wait3A_58 = tpu.memref_slice %arg3[%add3A_24, %arg1, %dma_wait3A_56, %dma_wait3A_57] : memref<4x16x79x128xi32, #tpu.memory_space<hbm>> -> memref<1x1x79x128xi32, #tpu.memory_space<hbm>>
      %dma_wait3A_59 = tpu.memref_squeeze %dma_wait3A_58 : memref<1x1x79x128xi32, #tpu.memory_space<hbm>> -> memref<79x128xi32, #tpu.memory_space<hbm>>
      tpu.wait_dma2 semaphore(%run_scoped3A : memref<!tpu.dma_semaphore, #tpu.memory_space<semaphore_mem>>) src(%dma_wait3A_59 : memref<79x128xi32, #tpu.memory_space<hbm>>) dst(%arg6 : memref<79x128xi32, #tpu.memory_space<vmem>>)
      tpu.yield
    }) : () -> ()
    %mul3A_25 = arith.constant 10240 : i32
    %mul3A_26 = arith.muli %add3A_24, %mul3A_25 : i32
    %mul3A_27 = arith.constant 640 : i32
    %mul3A_28 = arith.muli %arg1, %mul3A_27 : i32
    %add3A_29 = arith.addi %mul3A_26, %mul3A_28 : i32
    %mul3A_30 = arith.constant 640 : i32
    %mul3A_31 = arith.muli %arg1, %mul3A_30 : i32
    "tpu.region"() ({
      %run_scoped3A = tpu.sem_alloc : memref<!tpu.dma_semaphore, #tpu.memory_space<semaphore_mem>>
      %dma_start3A = arith.constant 0 : i32
      %dma_start3A_46 = tpu.memref_slice %arg9[%mul3A_31, %dma_start3A] : memref<10240x128xf32, #tpu.memory_space<vmem_shared>> -> memref<640x128xf32, #tpu.memory_space<vmem_shared>>
      %dma_start3A_47 = arith.constant 0 : i32
      %dma_start3A_48 = tpu.memref_slice %arg2[%add3A_29, %dma_start3A_47] : memref<40960x128xf32, #tpu.memory_space<hbm>> -> memref<640x128xf32, #tpu.memory_space<hbm>>
      tpu.enqueue_dma source(%dma_start3A_48 : memref<640x128xf32, #tpu.memory_space<hbm>>) target(%dma_start3A_46 : memref<640x128xf32, #tpu.memory_space<vmem_shared>>) target_semaphore(%run_scoped3A : memref<!tpu.dma_semaphore, #tpu.memory_space<semaphore_mem>>)
      %dma_wait3A = arith.constant 0 : i32
      %dma_wait3A_49 = tpu.memref_slice %arg9[%mul3A_31, %dma_wait3A] : memref<10240x128xf32, #tpu.memory_space<vmem_shared>> -> memref<640x128xf32, #tpu.memory_space<vmem_shared>>
      %dma_wait3A_50 = arith.constant 0 : i32
      %dma_wait3A_51 = tpu.memref_slice %arg2[%add3A_29, %dma_wait3A_50] : memref<40960x128xf32, #tpu.memory_space<hbm>> -> memref<640x128xf32, #tpu.memory_space<hbm>>
      tpu.wait_dma2 semaphore(%run_scoped3A : memref<!tpu.dma_semaphore, #tpu.memory_space<semaphore_mem>>) src(%dma_wait3A_51 : memref<640x128xf32, #tpu.memory_space<hbm>>) dst(%dma_wait3A_49 : memref<640x128xf32, #tpu.memory_space<vmem_shared>>)
      tpu.yield
    }) : () -> ()
    %barrier3A_32 = arith.constant 0 : index
    tpu.barrier barrier_id(%barrier3A_32)
    %scan3A_33 = arith.constant 0 : i32
    %scan3A_34 = arith.constant 79 : i32
    %scan3A_35 = arith.addi %scan3A_33, %scan3A_34 : i32
    %scan3A_36 = arith.constant 1 : i32
    scf.for %scan3A_46 = %scan3A_33 to %scan3A_35 step %scan3A_36  : i32 {
      %mul3A_47 = arith.constant 1 : i32
      %mul3A_48 = arith.muli %scan3A_46, %mul3A_47 : i32
      %add3A_49 = arith.constant 0 : i32
      %add3A_50 = arith.addi %add3A_49, %mul3A_48 : i32
      %dma_start3A = arith.constant 0 : i32
      %dma_start3A_51 = tpu.memref_slice %arg6[%add3A_50, %dma_start3A] : memref<79x128xi32, #tpu.memory_space<vmem>> -> memref<1x128xi32, #tpu.memory_space<vmem>>
      %dma_start3A_52 = tpu.memref_squeeze %dma_start3A_51 : memref<1x128xi32, #tpu.memory_space<vmem>> -> memref<128xi32, #tpu.memory_space<vmem>>
      %dma_start3A_53 = arith.constant 0 : i32
      %dma_start3A_54 = arith.constant 0 : i32
      %dma_start3A_55 = tpu.memref_slice %arg2[%dma_start3A_53, %dma_start3A_54] : memref<40960x128xf32, #tpu.memory_space<hbm>> -> memref<40960x128xf32, #tpu.memory_space<hbm>>
      tpu.enqueue_indirect_dma source(%dma_start3A_55 : memref<40960x128xf32, #tpu.memory_space<hbm>>) target(%arg8 : memref<128x128xf32, #tpu.memory_space<vmem>>) offsets(%dma_start3A_52 : memref<128xi32, #tpu.memory_space<vmem>>) semaphore(%arg10 : memref<!tpu.dma_semaphore, #tpu.memory_space<semaphore_mem>>)
      %dma_wait3A = arith.constant 0 : i32
      %dma_wait3A_56 = tpu.memref_slice %arg6[%add3A_50, %dma_wait3A] : memref<79x128xi32, #tpu.memory_space<vmem>> -> memref<1x128xi32, #tpu.memory_space<vmem>>
      %dma_wait3A_57 = tpu.memref_squeeze %dma_wait3A_56 : memref<1x128xi32, #tpu.memory_space<vmem>> -> memref<128xi32, #tpu.memory_space<vmem>>
      %dma_wait3A_58 = arith.constant 0 : i32
      %dma_wait3A_59 = arith.constant 0 : i32
      %dma_wait3A_60 = tpu.memref_slice %arg2[%dma_wait3A_58, %dma_wait3A_59] : memref<40960x128xf32, #tpu.memory_space<hbm>> -> memref<40960x128xf32, #tpu.memory_space<hbm>>
      tpu.wait_indirect_dma semaphore(%arg10 : memref<!tpu.dma_semaphore, #tpu.memory_space<semaphore_mem>>) src(%dma_wait3A_60 : memref<40960x128xf32, #tpu.memory_space<hbm>>) dst(%arg8 : memref<128x128xf32, #tpu.memory_space<vmem>>)
      "tpu.region"() ({
        %run_scoped3A = tpu.sem_alloc : memref<!tpu.dma_semaphore, #tpu.memory_space<semaphore_mem>>
        %dma_start3A_61 = arith.constant 0 : i32
        %dma_start3A_62 = tpu.memref_slice %arg7[%add3A_50, %dma_start3A_61] : memref<79x128xi32, #tpu.memory_space<vmem>> -> memref<1x128xi32, #tpu.memory_space<vmem>>
        %dma_start3A_63 = tpu.memref_squeeze %dma_start3A_62 : memref<1x128xi32, #tpu.memory_space<vmem>> -> memref<128xi32, #tpu.memory_space<vmem>>
        %dma_start3A_64 = arith.constant 0 : i32
        %dma_start3A_65 = arith.constant 0 : i32
        %dma_start3A_66 = tpu.memref_slice %arg9[%dma_start3A_64, %dma_start3A_65] : memref<10240x128xf32, #tpu.memory_space<vmem_shared>> -> memref<10240x128xf32, #tpu.memory_space<vmem_shared>>
        tpu.enqueue_indirect_dma source(%arg8 : memref<128x128xf32, #tpu.memory_space<vmem>>) target(%dma_start3A_66 : memref<10240x128xf32, #tpu.memory_space<vmem_shared>>) offsets(%dma_start3A_63 : memref<128xi32, #tpu.memory_space<vmem>>) semaphore(%run_scoped3A : memref<!tpu.dma_semaphore, #tpu.memory_space<semaphore_mem>>) {add = true}
        %dma_wait3A_67 = arith.constant 0 : i32
        %dma_wait3A_68 = tpu.memref_slice %arg7[%add3A_50, %dma_wait3A_67] : memref<79x128xi32, #tpu.memory_space<vmem>> -> memref<1x128xi32, #tpu.memory_space<vmem>>
        %dma_wait3A_69 = tpu.memref_squeeze %dma_wait3A_68 : memref<1x128xi32, #tpu.memory_space<vmem>> -> memref<128xi32, #tpu.memory_space<vmem>>
        %dma_wait3A_70 = arith.constant 0 : i32
        %dma_wait3A_71 = arith.constant 0 : i32
        %dma_wait3A_72 = tpu.memref_slice %arg9[%dma_wait3A_70, %dma_wait3A_71] : memref<10240x128xf32, #tpu.memory_space<vmem_shared>> -> memref<10240x128xf32, #tpu.memory_space<vmem_shared>>
        tpu.wait_indirect_dma semaphore(%run_scoped3A : memref<!tpu.dma_semaphore, #tpu.memory_space<semaphore_mem>>) src(%arg8 : memref<128x128xf32, #tpu.memory_space<vmem>>) dst(%dma_wait3A_72 : memref<10240x128xf32, #tpu.memory_space<vmem_shared>>)
        tpu.yield
      }) : () -> ()
    }
    %scan3A_37 = arith.constant 79 : i32
    %barrier3A_38 = arith.constant 0 : index
    tpu.barrier barrier_id(%barrier3A_38)
    %mul3A_39 = arith.constant 640 : i32
    %mul3A_40 = arith.muli %arg1, %mul3A_39 : i32
    %mul3A_41 = arith.constant 10240 : i32
    %mul3A_42 = arith.muli %add3A_24, %mul3A_41 : i32
    %mul3A_43 = arith.constant 640 : i32
    %mul3A_44 = arith.muli %arg1, %mul3A_43 : i32
    %add3A_45 = arith.addi %mul3A_42, %mul3A_44 : i32
    "tpu.region"() ({
      %run_scoped3A = tpu.sem_alloc : memref<!tpu.dma_semaphore, #tpu.memory_space<semaphore_mem>>
      %dma_start3A = arith.constant 0 : i32
      %dma_start3A_46 = tpu.memref_slice %arg5[%add3A_45, %dma_start3A] : memref<40960x128xf32, #tpu.memory_space<hbm>> -> memref<640x128xf32, #tpu.memory_space<hbm>>
      %dma_start3A_47 = arith.constant 0 : i32
      %dma_start3A_48 = tpu.memref_slice %arg9[%mul3A_40, %dma_start3A_47] : memref<10240x128xf32, #tpu.memory_space<vmem_shared>> -> memref<640x128xf32, #tpu.memory_space<vmem_shared>>
      tpu.enqueue_dma source(%dma_start3A_48 : memref<640x128xf32, #tpu.memory_space<vmem_shared>>) target(%dma_start3A_46 : memref<640x128xf32, #tpu.memory_space<hbm>>) target_semaphore(%run_scoped3A : memref<!tpu.dma_semaphore, #tpu.memory_space<semaphore_mem>>)
      %dma_wait3A = arith.constant 0 : i32
      %dma_wait3A_49 = tpu.memref_slice %arg5[%add3A_45, %dma_wait3A] : memref<40960x128xf32, #tpu.memory_space<hbm>> -> memref<640x128xf32, #tpu.memory_space<hbm>>
      %dma_wait3A_50 = arith.constant 0 : i32
      %dma_wait3A_51 = tpu.memref_slice %arg9[%mul3A_40, %dma_wait3A_50] : memref<10240x128xf32, #tpu.memory_space<vmem_shared>> -> memref<640x128xf32, #tpu.memory_space<vmem_shared>>
      tpu.wait_dma2 semaphore(%run_scoped3A : memref<!tpu.dma_semaphore, #tpu.memory_space<semaphore_mem>>) src(%dma_wait3A_51 : memref<640x128xf32, #tpu.memory_space<vmem_shared>>) dst(%dma_wait3A_49 : memref<640x128xf32, #tpu.memory_space<hbm>>)
      tpu.yield
    }) : () -> ()
    return
  }
}

#map = affine_map<(d0, d1) -> (0, 0)>
#map1 = affine_map<(d0, d1) -> (0, 0, 0, 0)>
#map2 = affine_map<(d0, d1) -> (0, 0, 0)>
module attributes {stable_mosaic.version = 14 : i64} {
  func.func @k(%arg0: i32, %arg1: i32, %arg2: memref<40960x128xf32, #tpu.memory_space<hbm>>, %arg3: memref<4x16x79x128xi32, #tpu.memory_space<hbm>>, %arg4: memref<16x79x128xi32, #tpu.memory_space<hbm>>, %arg5: memref<40960x128xf32, #tpu.memory_space<hbm>>, %arg6: memref<79x128xi32, #tpu.memory_space<vmem>>, %arg7: memref<79x128xi32, #tpu.memory_space<vmem>>, %arg8: memref<128x128xf32, #tpu.memory_space<vmem>>, %arg9: memref<10240x128xf32, #tpu.memory_space<vmem_shared>>, %arg10: memref<!tpu.dma_semaphore, #tpu.memory_space<semaphore_mem>>) attributes {dimension_semantics = [#tpu.dimension_semantics<core_parallel>, #tpu.dimension_semantics<subcore_parallel>], iteration_bounds = array<i64: 2, 16>, scalar_prefetch = 0 : i64, scratch_operands = 5 : i64, tpu.core_type = #tpu.core_type<sc_vector_subcore>, window_params = [{transform_indices = #map}, {transform_indices = #map1}, {transform_indices = #map2}, {transform_indices = #map}]} {
    "tpu.region"() ({
      %run_scoped3A = tpu.sem_alloc : memref<!tpu.dma_semaphore, #tpu.memory_space<semaphore_mem>>
      %dma_start3A = arith.constant 0 : i32
      %dma_start3A_46 = arith.constant 0 : i32
      %dma_start3A_47 = tpu.memref_slice %arg4[%arg1, %dma_start3A, %dma_start3A_46] : memref<16x79x128xi32, #tpu.memory_space<hbm>> -> memref<1x79x128xi32, #tpu.memory_space<hbm>>
      %dma_start3A_48 = tpu.memref_squeeze %dma_start3A_47 : memref<1x79x128xi32, #tpu.memory_space<hbm>> -> memref<79x128xi32, #tpu.memory_space<hbm>>
      %dma_start3A_49 = arith.constant 0 : i32
      %dma_start3A_50 = arith.constant 0 : i32
      %dma_start3A_51 = tpu.memref_slice %arg4[%arg1, %dma_start3A_49, %dma_start3A_50] : memref<16x79x128xi32, #tpu.memory_space<hbm>> -> memref<1x79x128xi32, #tpu.memory_space<hbm>>
      %dma_start3A_52 = tpu.memref_squeeze %dma_start3A_51 : memref<1x79x128xi32, #tpu.memory_space<hbm>> -> memref<79x128xi32, #tpu.memory_space<hbm>>
      tpu.enqueue_dma source(%dma_start3A_52 : memref<79x128xi32, #tpu.memory_space<hbm>>) target(%arg7 : memref<79x128xi32, #tpu.memory_space<vmem>>) target_semaphore(%run_scoped3A : memref<!tpu.dma_semaphore, #tpu.memory_space<semaphore_mem>>)
      %dma_wait3A = arith.constant 0 : i32
      %dma_wait3A_53 = arith.constant 0 : i32
      %dma_wait3A_54 = tpu.memref_slice %arg4[%arg1, %dma_wait3A, %dma_wait3A_53] : memref<16x79x128xi32, #tpu.memory_space<hbm>> -> memref<1x79x128xi32, #tpu.memory_space<hbm>>
      %dma_wait3A_55 = tpu.memref_squeeze %dma_wait3A_54 : memref<1x79x128xi32, #tpu.memory_space<hbm>> -> memref<79x128xi32, #tpu.memory_space<hbm>>
      %dma_wait3A_56 = arith.constant 0 : i32
      %dma_wait3A_57 = arith.constant 0 : i32
      %dma_wait3A_58 = tpu.memref_slice %arg4[%arg1, %dma_wait3A_56, %dma_wait3A_57] : memref<16x79x128xi32, #tpu.memory_space<hbm>> -> memref<1x79x128xi32, #tpu.memory_space<hbm>>
      %dma_wait3A_59 = tpu.memref_squeeze %dma_wait3A_58 : memref<1x79x128xi32, #tpu.memory_space<hbm>> -> memref<79x128xi32, #tpu.memory_space<hbm>>
      tpu.wait_dma2 semaphore(%run_scoped3A : memref<!tpu.dma_semaphore, #tpu.memory_space<semaphore_mem>>) src(%dma_wait3A_59 : memref<79x128xi32, #tpu.memory_space<hbm>>) dst(%arg7 : memref<79x128xi32, #tpu.memory_space<vmem>>)
      tpu.yield
    }) : () -> ()
    %mul3A = arith.constant 2 : i32
    %mul3A_0 = arith.muli %arg0, %mul3A : i32
    %add3A = arith.constant 0 : i32
    %add3A_1 = arith.addi %mul3A_0, %add3A : i32
    "tpu.region"() ({
      %run_scoped3A = tpu.sem_alloc : memref<!tpu.dma_semaphore, #tpu.memory_space<semaphore_mem>>
      %dma_start3A = arith.constant 0 : i32
      %dma_start3A_46 = arith.constant 0 : i32
      %dma_start3A_47 = tpu.memref_slice %arg3[%add3A_1, %arg1, %dma_start3A, %dma_start3A_46] : memref<4x16x79x128xi32, #tpu.memory_space<hbm>> -> memref<1x1x79x128xi32, #tpu.memory_space<hbm>>
      %dma_start3A_48 = tpu.memref_squeeze %dma_start3A_47 : memref<1x1x79x128xi32, #tpu.memory_space<hbm>> -> memref<79x128xi32, #tpu.memory_space<hbm>>
      %dma_start3A_49 = arith.constant 0 : i32
      %dma_start3A_50 = arith.constant 0 : i32
      %dma_start3A_51 = tpu.memref_slice %arg3[%add3A_1, %arg1, %dma_start3A_49, %dma_start3A_50] : memref<4x16x79x128xi32, #tpu.memory_space<hbm>> -> memref<1x1x79x128xi32, #tpu.memory_space<hbm>>
      %dma_start3A_52 = tpu.memref_squeeze %dma_start3A_51 : memref<1x1x79x128xi32, #tpu.memory_space<hbm>> -> memref<79x128xi32, #tpu.memory_space<hbm>>
      tpu.enqueue_dma source(%dma_start3A_52 : memref<79x128xi32, #tpu.memory_space<hbm>>) target(%arg6 : memref<79x128xi32, #tpu.memory_space<vmem>>) target_semaphore(%run_scoped3A : memref<!tpu.dma_semaphore, #tpu.memory_space<semaphore_mem>>)
      %dma_wait3A = arith.constant 0 : i32
      %dma_wait3A_53 = arith.constant 0 : i32
      %dma_wait3A_54 = tpu.memref_slice %arg3[%add3A_1, %arg1, %dma_wait3A, %dma_wait3A_53] : memref<4x16x79x128xi32, #tpu.memory_space<hbm>> -> memref<1x1x79x128xi32, #tpu.memory_space<hbm>>
      %dma_wait3A_55 = tpu.memref_squeeze %dma_wait3A_54 : memref<1x1x79x128xi32, #tpu.memory_space<hbm>> -> memref<79x128xi32, #tpu.memory_space<hbm>>
      %dma_wait3A_56 = arith.constant 0 : i32
      %dma_wait3A_57 = arith.constant 0 : i32
      %dma_wait3A_58 = tpu.memref_slice %arg3[%add3A_1, %arg1, %dma_wait3A_56, %dma_wait3A_57] : memref<4x16x79x128xi32, #tpu.memory_space<hbm>> -> memref<1x1x79x128xi32, #tpu.memory_space<hbm>>
      %dma_wait3A_59 = tpu.memref_squeeze %dma_wait3A_58 : memref<1x1x79x128xi32, #tpu.memory_space<hbm>> -> memref<79x128xi32, #tpu.memory_space<hbm>>
      tpu.wait_dma2 semaphore(%run_scoped3A : memref<!tpu.dma_semaphore, #tpu.memory_space<semaphore_mem>>) src(%dma_wait3A_59 : memref<79x128xi32, #tpu.memory_space<hbm>>) dst(%arg6 : memref<79x128xi32, #tpu.memory_space<vmem>>)
      tpu.yield
    }) : () -> ()
    %mul3A_2 = arith.constant 10240 : i32
    %mul3A_3 = arith.muli %add3A_1, %mul3A_2 : i32
    %mul3A_4 = arith.constant 640 : i32
    %mul3A_5 = arith.muli %arg1, %mul3A_4 : i32
    %add3A_6 = arith.addi %mul3A_3, %mul3A_5 : i32
    %mul3A_7 = arith.constant 640 : i32
    %mul3A_8 = arith.muli %arg1, %mul3A_7 : i32
    "tpu.region"() ({
      %run_scoped3A = tpu.sem_alloc : memref<!tpu.dma_semaphore, #tpu.memory_space<semaphore_mem>>
      %dma_start3A = arith.constant 0 : i32
      %dma_start3A_46 = tpu.memref_slice %arg9[%mul3A_8, %dma_start3A] : memref<10240x128xf32, #tpu.memory_space<vmem_shared>> -> memref<640x128xf32, #tpu.memory_space<vmem_shared>>
      %dma_start3A_47 = arith.constant 0 : i32
      %dma_start3A_48 = tpu.memref_slice %arg2[%add3A_6, %dma_start3A_47] : memref<40960x128xf32, #tpu.memory_space<hbm>> -> memref<640x128xf32, #tpu.memory_space<hbm>>
      tpu.enqueue_dma source(%dma_start3A_48 : memref<640x128xf32, #tpu.memory_space<hbm>>) target(%dma_start3A_46 : memref<640x128xf32, #tpu.memory_space<vmem_shared>>) target_semaphore(%run_scoped3A : memref<!tpu.dma_semaphore, #tpu.memory_space<semaphore_mem>>)
      %dma_wait3A = arith.constant 0 : i32
      %dma_wait3A_49 = tpu.memref_slice %arg9[%mul3A_8, %dma_wait3A] : memref<10240x128xf32, #tpu.memory_space<vmem_shared>> -> memref<640x128xf32, #tpu.memory_space<vmem_shared>>
      %dma_wait3A_50 = arith.constant 0 : i32
      %dma_wait3A_51 = tpu.memref_slice %arg2[%add3A_6, %dma_wait3A_50] : memref<40960x128xf32, #tpu.memory_space<hbm>> -> memref<640x128xf32, #tpu.memory_space<hbm>>
      tpu.wait_dma2 semaphore(%run_scoped3A : memref<!tpu.dma_semaphore, #tpu.memory_space<semaphore_mem>>) src(%dma_wait3A_51 : memref<640x128xf32, #tpu.memory_space<hbm>>) dst(%dma_wait3A_49 : memref<640x128xf32, #tpu.memory_space<vmem_shared>>)
      tpu.yield
    }) : () -> ()
    %barrier3A = arith.constant 0 : index
    tpu.barrier barrier_id(%barrier3A)
    %scan3A = arith.constant 0 : i32
    %scan3A_9 = arith.constant 79 : i32
    %scan3A_10 = arith.addi %scan3A, %scan3A_9 : i32
    %scan3A_11 = arith.constant 1 : i32
    scf.for %scan3A_46 = %scan3A to %scan3A_10 step %scan3A_11  : i32 {
      %mul3A_47 = arith.constant 1 : i32
      %mul3A_48 = arith.muli %scan3A_46, %mul3A_47 : i32
      %add3A_49 = arith.constant 0 : i32
      %add3A_50 = arith.addi %add3A_49, %mul3A_48 : i32
      %dma_start3A = arith.constant 0 : i32
      %dma_start3A_51 = tpu.memref_slice %arg6[%add3A_50, %dma_start3A] : memref<79x128xi32, #tpu.memory_space<vmem>> -> memref<1x128xi32, #tpu.memory_space<vmem>>
      %dma_start3A_52 = tpu.memref_squeeze %dma_start3A_51 : memref<1x128xi32, #tpu.memory_space<vmem>> -> memref<128xi32, #tpu.memory_space<vmem>>
      %dma_start3A_53 = arith.constant 0 : i32
      %dma_start3A_54 = arith.constant 0 : i32
      %dma_start3A_55 = tpu.memref_slice %arg2[%dma_start3A_53, %dma_start3A_54] : memref<40960x128xf32, #tpu.memory_space<hbm>> -> memref<40960x128xf32, #tpu.memory_space<hbm>>
      tpu.enqueue_indirect_dma source(%dma_start3A_55 : memref<40960x128xf32, #tpu.memory_space<hbm>>) target(%arg8 : memref<128x128xf32, #tpu.memory_space<vmem>>) offsets(%dma_start3A_52 : memref<128xi32, #tpu.memory_space<vmem>>) semaphore(%arg10 : memref<!tpu.dma_semaphore, #tpu.memory_space<semaphore_mem>>)
      %dma_wait3A = arith.constant 0 : i32
      %dma_wait3A_56 = tpu.memref_slice %arg6[%add3A_50, %dma_wait3A] : memref<79x128xi32, #tpu.memory_space<vmem>> -> memref<1x128xi32, #tpu.memory_space<vmem>>
      %dma_wait3A_57 = tpu.memref_squeeze %dma_wait3A_56 : memref<1x128xi32, #tpu.memory_space<vmem>> -> memref<128xi32, #tpu.memory_space<vmem>>
      %dma_wait3A_58 = arith.constant 0 : i32
      %dma_wait3A_59 = arith.constant 0 : i32
      %dma_wait3A_60 = tpu.memref_slice %arg2[%dma_wait3A_58, %dma_wait3A_59] : memref<40960x128xf32, #tpu.memory_space<hbm>> -> memref<40960x128xf32, #tpu.memory_space<hbm>>
      tpu.wait_indirect_dma semaphore(%arg10 : memref<!tpu.dma_semaphore, #tpu.memory_space<semaphore_mem>>) src(%dma_wait3A_60 : memref<40960x128xf32, #tpu.memory_space<hbm>>) dst(%arg8 : memref<128x128xf32, #tpu.memory_space<vmem>>)
      "tpu.region"() ({
        %run_scoped3A = tpu.sem_alloc : memref<!tpu.dma_semaphore, #tpu.memory_space<semaphore_mem>>
        %dma_start3A_61 = arith.constant 0 : i32
        %dma_start3A_62 = tpu.memref_slice %arg7[%add3A_50, %dma_start3A_61] : memref<79x128xi32, #tpu.memory_space<vmem>> -> memref<1x128xi32, #tpu.memory_space<vmem>>
        %dma_start3A_63 = tpu.memref_squeeze %dma_start3A_62 : memref<1x128xi32, #tpu.memory_space<vmem>> -> memref<128xi32, #tpu.memory_space<vmem>>
        %dma_start3A_64 = arith.constant 0 : i32
        %dma_start3A_65 = arith.constant 0 : i32
        %dma_start3A_66 = tpu.memref_slice %arg9[%dma_start3A_64, %dma_start3A_65] : memref<10240x128xf32, #tpu.memory_space<vmem_shared>> -> memref<10240x128xf32, #tpu.memory_space<vmem_shared>>
        tpu.enqueue_indirect_dma source(%arg8 : memref<128x128xf32, #tpu.memory_space<vmem>>) target(%dma_start3A_66 : memref<10240x128xf32, #tpu.memory_space<vmem_shared>>) offsets(%dma_start3A_63 : memref<128xi32, #tpu.memory_space<vmem>>) semaphore(%run_scoped3A : memref<!tpu.dma_semaphore, #tpu.memory_space<semaphore_mem>>) {add = true}
        %dma_wait3A_67 = arith.constant 0 : i32
        %dma_wait3A_68 = tpu.memref_slice %arg7[%add3A_50, %dma_wait3A_67] : memref<79x128xi32, #tpu.memory_space<vmem>> -> memref<1x128xi32, #tpu.memory_space<vmem>>
        %dma_wait3A_69 = tpu.memref_squeeze %dma_wait3A_68 : memref<1x128xi32, #tpu.memory_space<vmem>> -> memref<128xi32, #tpu.memory_space<vmem>>
        %dma_wait3A_70 = arith.constant 0 : i32
        %dma_wait3A_71 = arith.constant 0 : i32
        %dma_wait3A_72 = tpu.memref_slice %arg9[%dma_wait3A_70, %dma_wait3A_71] : memref<10240x128xf32, #tpu.memory_space<vmem_shared>> -> memref<10240x128xf32, #tpu.memory_space<vmem_shared>>
        tpu.wait_indirect_dma semaphore(%run_scoped3A : memref<!tpu.dma_semaphore, #tpu.memory_space<semaphore_mem>>) src(%arg8 : memref<128x128xf32, #tpu.memory_space<vmem>>) dst(%dma_wait3A_72 : memref<10240x128xf32, #tpu.memory_space<vmem_shared>>)
        tpu.yield
      }) : () -> ()
    }
    %scan3A_12 = arith.constant 79 : i32
    %barrier3A_13 = arith.constant 0 : index
    tpu.barrier barrier_id(%barrier3A_13)
    %mul3A_14 = arith.constant 640 : i32
    %mul3A_15 = arith.muli %arg1, %mul3A_14 : i32
    %mul3A_16 = arith.constant 10240 : i32
    %mul3A_17 = arith.muli %add3A_1, %mul3A_16 : i32
    %mul3A_18 = arith.constant 640 : i32
    %mul3A_19 = arith.muli %arg1, %mul3A_18 : i32
    %add3A_20 = arith.addi %mul3A_17, %mul3A_19 : i32
    "tpu.region"() ({
      %run_scoped3A = tpu.sem_alloc : memref<!tpu.dma_semaphore, #tpu.memory_space<semaphore_mem>>
      %dma_start3A = arith.constant 0 : i32
      %dma_start3A_46 = tpu.memref_slice %arg5[%add3A_20, %dma_start3A] : memref<40960x128xf32, #tpu.memory_space<hbm>> -> memref<640x128xf32, #tpu.memory_space<hbm>>
      %dma_start3A_47 = arith.constant 0 : i32
      %dma_start3A_48 = tpu.memref_slice %arg9[%mul3A_15, %dma_start3A_47] : memref<10240x128xf32, #tpu.memory_space<vmem_shared>> -> memref<640x128xf32, #tpu.memory_space<vmem_shared>>
      tpu.enqueue_dma source(%dma_start3A_48 : memref<640x128xf32, #tpu.memory_space<vmem_shared>>) target(%dma_start3A_46 : memref<640x128xf32, #tpu.memory_space<hbm>>) target_semaphore(%run_scoped3A : memref<!tpu.dma_semaphore, #tpu.memory_space<semaphore_mem>>)
      %dma_wait3A = arith.constant 0 : i32
      %dma_wait3A_49 = tpu.memref_slice %arg5[%add3A_20, %dma_wait3A] : memref<40960x128xf32, #tpu.memory_space<hbm>> -> memref<640x128xf32, #tpu.memory_space<hbm>>
      %dma_wait3A_50 = arith.constant 0 : i32
      %dma_wait3A_51 = tpu.memref_slice %arg9[%mul3A_15, %dma_wait3A_50] : memref<10240x128xf32, #tpu.memory_space<vmem_shared>> -> memref<640x128xf32, #tpu.memory_space<vmem_shared>>
      tpu.wait_dma2 semaphore(%run_scoped3A : memref<!tpu.dma_semaphore, #tpu.memory_space<semaphore_mem>>) src(%dma_wait3A_51 : memref<640x128xf32, #tpu.memory_space<vmem_shared>>) dst(%dma_wait3A_49 : memref<640x128xf32, #tpu.memory_space<hbm>>)
      tpu.yield
    }) : () -> ()
    %mul3A_21 = arith.constant 2 : i32
    %mul3A_22 = arith.muli %arg0, %mul3A_21 : i32
    %add3A_23 = arith.constant 1 : i32
    %add3A_24 = arith.addi %mul3A_22, %add3A_23 : i32
    "tpu.region"() ({
      %run_scoped3A = tpu.sem_alloc : memref<!tpu.dma_semaphore, #tpu.memory_space<semaphore_mem>>
      %dma_start3A = arith.constant 0 : i32
      %dma_start3A_46 = arith.constant 0 : i32
      %dma_start3A_47 = tpu.memref_slice %arg3[%add3A_24, %arg1, %dma_start3A, %dma_start3A_46] : memref<4x16x79x128xi32, #tpu.memory_space<hbm>> -> memref<1x1x79x128xi32, #tpu.memory_space<hbm>>
      %dma_start3A_48 = tpu.memref_squeeze %dma_start3A_47 : memref<1x1x79x128xi32, #tpu.memory_space<hbm>> -> memref<79x128xi32, #tpu.memory_space<hbm>>
      %dma_start3A_49 = arith.constant 0 : i32
      %dma_start3A_50 = arith.constant 0 : i32
      %dma_start3A_51 = tpu.memref_slice %arg3[%add3A_24, %arg1, %dma_start3A_49, %dma_start3A_50] : memref<4x16x79x128xi32, #tpu.memory_space<hbm>> -> memref<1x1x79x128xi32, #tpu.memory_space<hbm>>
      %dma_start3A_52 = tpu.memref_squeeze %dma_start3A_51 : memref<1x1x79x128xi32, #tpu.memory_space<hbm>> -> memref<79x128xi32, #tpu.memory_space<hbm>>
      tpu.enqueue_dma source(%dma_start3A_52 : memref<79x128xi32, #tpu.memory_space<hbm>>) target(%arg6 : memref<79x128xi32, #tpu.memory_space<vmem>>) target_semaphore(%run_scoped3A : memref<!tpu.dma_semaphore, #tpu.memory_space<semaphore_mem>>)
      %dma_wait3A = arith.constant 0 : i32
      %dma_wait3A_53 = arith.constant 0 : i32
      %dma_wait3A_54 = tpu.memref_slice %arg3[%add3A_24, %arg1, %dma_wait3A, %dma_wait3A_53] : memref<4x16x79x128xi32, #tpu.memory_space<hbm>> -> memref<1x1x79x128xi32, #tpu.memory_space<hbm>>
      %dma_wait3A_55 = tpu.memref_squeeze %dma_wait3A_54 : memref<1x1x79x128xi32, #tpu.memory_space<hbm>> -> memref<79x128xi32, #tpu.memory_space<hbm>>
      %dma_wait3A_56 = arith.constant 0 : i32
      %dma_wait3A_57 = arith.constant 0 : i32
      %dma_wait3A_58 = tpu.memref_slice %arg3[%add3A_24, %arg1, %dma_wait3A_56, %dma_wait3A_57] : memref<4x16x79x128xi32, #tpu.memory_space<hbm>> -> memref<1x1x79x128xi32, #tpu.memory_space<hbm>>
      %dma_wait3A_59 = tpu.memref_squeeze %dma_wait3A_58 : memref<1x1x79x128xi32, #tpu.memory_space<hbm>> -> memref<79x128xi32, #tpu.memory_space<hbm>>
      tpu.wait_dma2 semaphore(%run_scoped3A : memref<!tpu.dma_semaphore, #tpu.memory_space<semaphore_mem>>) src(%dma_wait3A_59 : memref<79x128xi32, #tpu.memory_space<hbm>>) dst(%arg6 : memref<79x128xi32, #tpu.memory_space<vmem>>)
      tpu.yield
    }) : () -> ()
    %mul3A_25 = arith.constant 10240 : i32
    %mul3A_26 = arith.muli %add3A_24, %mul3A_25 : i32
    %mul3A_27 = arith.constant 640 : i32
    %mul3A_28 = arith.muli %arg1, %mul3A_27 : i32
    %add3A_29 = arith.addi %mul3A_26, %mul3A_28 : i32
    %mul3A_30 = arith.constant 640 : i32
    %mul3A_31 = arith.muli %arg1, %mul3A_30 : i32
    "tpu.region"() ({
      %run_scoped3A = tpu.sem_alloc : memref<!tpu.dma_semaphore, #tpu.memory_space<semaphore_mem>>
      %dma_start3A = arith.constant 0 : i32
      %dma_start3A_46 = tpu.memref_slice %arg9[%mul3A_31, %dma_start3A] : memref<10240x128xf32, #tpu.memory_space<vmem_shared>> -> memref<640x128xf32, #tpu.memory_space<vmem_shared>>
      %dma_start3A_47 = arith.constant 0 : i32
      %dma_start3A_48 = tpu.memref_slice %arg2[%add3A_29, %dma_start3A_47] : memref<40960x128xf32, #tpu.memory_space<hbm>> -> memref<640x128xf32, #tpu.memory_space<hbm>>
      tpu.enqueue_dma source(%dma_start3A_48 : memref<640x128xf32, #tpu.memory_space<hbm>>) target(%dma_start3A_46 : memref<640x128xf32, #tpu.memory_space<vmem_shared>>) target_semaphore(%run_scoped3A : memref<!tpu.dma_semaphore, #tpu.memory_space<semaphore_mem>>)
      %dma_wait3A = arith.constant 0 : i32
      %dma_wait3A_49 = tpu.memref_slice %arg9[%mul3A_31, %dma_wait3A] : memref<10240x128xf32, #tpu.memory_space<vmem_shared>> -> memref<640x128xf32, #tpu.memory_space<vmem_shared>>
      %dma_wait3A_50 = arith.constant 0 : i32
      %dma_wait3A_51 = tpu.memref_slice %arg2[%add3A_29, %dma_wait3A_50] : memref<40960x128xf32, #tpu.memory_space<hbm>> -> memref<640x128xf32, #tpu.memory_space<hbm>>
      tpu.wait_dma2 semaphore(%run_scoped3A : memref<!tpu.dma_semaphore, #tpu.memory_space<semaphore_mem>>) src(%dma_wait3A_51 : memref<640x128xf32, #tpu.memory_space<hbm>>) dst(%dma_wait3A_49 : memref<640x128xf32, #tpu.memory_space<vmem_shared>>)
      tpu.yield
    }) : () -> ()
    %barrier3A_32 = arith.constant 0 : index
    tpu.barrier barrier_id(%barrier3A_32)
    %scan3A_33 = arith.constant 0 : i32
    %scan3A_34 = arith.constant 79 : i32
    %scan3A_35 = arith.addi %scan3A_33, %scan3A_34 : i32
    %scan3A_36 = arith.constant 1 : i32
    scf.for %scan3A_46 = %scan3A_33 to %scan3A_35 step %scan3A_36  : i32 {
      %mul3A_47 = arith.constant 1 : i32
      %mul3A_48 = arith.muli %scan3A_46, %mul3A_47 : i32
      %add3A_49 = arith.constant 0 : i32
      %add3A_50 = arith.addi %add3A_49, %mul3A_48 : i32
      %dma_start3A = arith.constant 0 : i32
      %dma_start3A_51 = tpu.memref_slice %arg6[%add3A_50, %dma_start3A] : memref<79x128xi32, #tpu.memory_space<vmem>> -> memref<1x128xi32, #tpu.memory_space<vmem>>
      %dma_start3A_52 = tpu.memref_squeeze %dma_start3A_51 : memref<1x128xi32, #tpu.memory_space<vmem>> -> memref<128xi32, #tpu.memory_space<vmem>>
      %dma_start3A_53 = arith.constant 0 : i32
      %dma_start3A_54 = arith.constant 0 : i32
      %dma_start3A_55 = tpu.memref_slice %arg2[%dma_start3A_53, %dma_start3A_54] : memref<40960x128xf32, #tpu.memory_space<hbm>> -> memref<40960x128xf32, #tpu.memory_space<hbm>>
      tpu.enqueue_indirect_dma source(%dma_start3A_55 : memref<40960x128xf32, #tpu.memory_space<hbm>>) target(%arg8 : memref<128x128xf32, #tpu.memory_space<vmem>>) offsets(%dma_start3A_52 : memref<128xi32, #tpu.memory_space<vmem>>) semaphore(%arg10 : memref<!tpu.dma_semaphore, #tpu.memory_space<semaphore_mem>>)
      %dma_wait3A = arith.constant 0 : i32
      %dma_wait3A_56 = tpu.memref_slice %arg6[%add3A_50, %dma_wait3A] : memref<79x128xi32, #tpu.memory_space<vmem>> -> memref<1x128xi32, #tpu.memory_space<vmem>>
      %dma_wait3A_57 = tpu.memref_squeeze %dma_wait3A_56 : memref<1x128xi32, #tpu.memory_space<vmem>> -> memref<128xi32, #tpu.memory_space<vmem>>
      %dma_wait3A_58 = arith.constant 0 : i32
      %dma_wait3A_59 = arith.constant 0 : i32
      %dma_wait3A_60 = tpu.memref_slice %arg2[%dma_wait3A_58, %dma_wait3A_59] : memref<40960x128xf32, #tpu.memory_space<hbm>> -> memref<40960x128xf32, #tpu.memory_space<hbm>>
      tpu.wait_indirect_dma semaphore(%arg10 : memref<!tpu.dma_semaphore, #tpu.memory_space<semaphore_mem>>) src(%dma_wait3A_60 : memref<40960x128xf32, #tpu.memory_space<hbm>>) dst(%arg8 : memref<128x128xf32, #tpu.memory_space<vmem>>)
      "tpu.region"() ({
        %run_scoped3A = tpu.sem_alloc : memref<!tpu.dma_semaphore, #tpu.memory_space<semaphore_mem>>
        %dma_start3A_61 = arith.constant 0 : i32
        %dma_start3A_62 = tpu.memref_slice %arg7[%add3A_50, %dma_start3A_61] : memref<79x128xi32, #tpu.memory_space<vmem>> -> memref<1x128xi32, #tpu.memory_space<vmem>>
        %dma_start3A_63 = tpu.memref_squeeze %dma_start3A_62 : memref<1x128xi32, #tpu.memory_space<vmem>> -> memref<128xi32, #tpu.memory_space<vmem>>
        %dma_start3A_64 = arith.constant 0 : i32
        %dma_start3A_65 = arith.constant 0 : i32
        %dma_start3A_66 = tpu.memref_slice %arg9[%dma_start3A_64, %dma_start3A_65] : memref<10240x128xf32, #tpu.memory_space<vmem_shared>> -> memref<10240x128xf32, #tpu.memory_space<vmem_shared>>
        tpu.enqueue_indirect_dma source(%arg8 : memref<128x128xf32, #tpu.memory_space<vmem>>) target(%dma_start3A_66 : memref<10240x128xf32, #tpu.memory_space<vmem_shared>>) offsets(%dma_start3A_63 : memref<128xi32, #tpu.memory_space<vmem>>) semaphore(%run_scoped3A : memref<!tpu.dma_semaphore, #tpu.memory_space<semaphore_mem>>) {add = true}
        %dma_wait3A_67 = arith.constant 0 : i32
        %dma_wait3A_68 = tpu.memref_slice %arg7[%add3A_50, %dma_wait3A_67] : memref<79x128xi32, #tpu.memory_space<vmem>> -> memref<1x128xi32, #tpu.memory_space<vmem>>
        %dma_wait3A_69 = tpu.memref_squeeze %dma_wait3A_68 : memref<1x128xi32, #tpu.memory_space<vmem>> -> memref<128xi32, #tpu.memory_space<vmem>>
        %dma_wait3A_70 = arith.constant 0 : i32
        %dma_wait3A_71 = arith.constant 0 : i32
        %dma_wait3A_72 = tpu.memref_slice %arg9[%dma_wait3A_70, %dma_wait3A_71] : memref<10240x128xf32, #tpu.memory_space<vmem_shared>> -> memref<10240x128xf32, #tpu.memory_space<vmem_shared>>
        tpu.wait_indirect_dma semaphore(%run_scoped3A : memref<!tpu.dma_semaphore, #tpu.memory_space<semaphore_mem>>) src(%arg8 : memref<128x128xf32, #tpu.memory_space<vmem>>) dst(%dma_wait3A_72 : memref<10240x128xf32, #tpu.memory_space<vmem_shared>>)
        tpu.yield
      }) : () -> ()
    }
    %scan3A_37 = arith.constant 79 : i32
    %barrier3A_38 = arith.constant 0 : index
    tpu.barrier barrier_id(%barrier3A_38)
    %mul3A_39 = arith.constant 640 : i32
    %mul3A_40 = arith.muli %arg1, %mul3A_39 : i32
    %mul3A_41 = arith.constant 10240 : i32
    %mul3A_42 = arith.muli %add3A_24, %mul3A_41 : i32
    %mul3A_43 = arith.constant 640 : i32
    %mul3A_44 = arith.muli %arg1, %mul3A_43 : i32
    %add3A_45 = arith.addi %mul3A_42, %mul3A_44 : i32
    "tpu.region"() ({
      %run_scoped3A = tpu.sem_alloc : memref<!tpu.dma_semaphore, #tpu.memory_space<semaphore_mem>>
      %dma_start3A = arith.constant 0 : i32
      %dma_start3A_46 = tpu.memref_slice %arg5[%add3A_45, %dma_start3A] : memref<40960x128xf32, #tpu.memory_space<hbm>> -> memref<640x128xf32, #tpu.memory_space<hbm>>
      %dma_start3A_47 = arith.constant 0 : i32
      %dma_start3A_48 = tpu.memref_slice %arg9[%mul3A_40, %dma_start3A_47] : memref<10240x128xf32, #tpu.memory_space<vmem_shared>> -> memref<640x128xf32, #tpu.memory_space<vmem_shared>>
      tpu.enqueue_dma source(%dma_start3A_48 : memref<640x128xf32, #tpu.memory_space<vmem_shared>>) target(%dma_start3A_46 : memref<640x128xf32, #tpu.memory_space<hbm>>) target_semaphore(%run_scoped3A : memref<!tpu.dma_semaphore, #tpu.memory_space<semaphore_mem>>)
      %dma_wait3A = arith.constant 0 : i32
      %dma_wait3A_49 = tpu.memref_slice %arg5[%add3A_45, %dma_wait3A] : memref<40960x128xf32, #tpu.memory_space<hbm>> -> memref<640x128xf32, #tpu.memory_space<hbm>>
      %dma_wait3A_50 = arith.constant 0 : i32
      %dma_wait3A_51 = tpu.memref_slice %arg9[%mul3A_40, %dma_wait3A_50] : memref<10240x128xf32, #tpu.memory_space<vmem_shared>> -> memref<640x128xf32, #tpu.memory_space<vmem_shared>>
      tpu.wait_dma2 semaphore(%run_scoped3A : memref<!tpu.dma_semaphore, #tpu.memory_space<semaphore_mem>>) src(%dma_wait3A_51 : memref<640x128xf32, #tpu.memory_space<vmem_shared>>) dst(%dma_wait3A_49 : memref<640x128xf32, #tpu.memory_space<hbm>>)
      tpu.yield
    }) : () -> ()
    return
  }
}

module attributes {stable_mosaic.version = 14 : i64} {
  func.func @body(%arg0: memref<256x512xf32, #tpu.memory_space<vmem>>, %arg1: memref<512x512xf32, #tpu.memory_space<vmem>>, %arg2: memref<256x512xf32, #tpu.memory_space<vmem>>) attributes {dimension_semantics = [], scalar_prefetch = 0 : i64, scratch_operands = 0 : i64, tpu.core_type = #tpu.core_type<tc>} {
    %get3A = arith.constant 0 : index
    %get3A_0 = arith.constant 0 : index
    %get3A_1 = vector.load %arg0[%get3A, %get3A_0] : memref<256x512xf32, #tpu.memory_space<vmem>>, vector<256x512xf32>
    %get3A_2 = arith.constant 0 : index
    %get3A_3 = arith.constant 0 : index
    %get3A_4 = vector.load %arg1[%get3A_2, %get3A_3] : memref<512x512xf32, #tpu.memory_space<vmem>>, vector<512x512xf32>
    %dot_general3A = arith.constant dense<0.000000e+00> : vector<256x512xf32>
    %dot_general3A_5 = tpu.matmul %get3A_1, %get3A_4, %dot_general3A {dimension_numbers = #tpu.dot_dimension_numbers<[1], [0], [0], [1], [0, 0, 1, 1], [], []>, precision = #tpu.contract_precision<fp32>, transpose_lhs_hint = false} : vector<256x512xf32>, vector<512x512xf32>, vector<256x512xf32> -> vector<256x512xf32>
    %swap3A = arith.constant 0 : index
    %swap3A_6 = arith.constant 0 : index
    %swap3A_7 = vector.load %arg2[%swap3A, %swap3A_6] : memref<256x512xf32, #tpu.memory_space<vmem>>, vector<256x512xf32>
    tpu.vector_store %arg2[%swap3A, %swap3A_6], %dot_general3A_5 {strides = array<i32>} : memref<256x512xf32, #tpu.memory_space<vmem>>, vector<256x512xf32>,
    return
  }
}

module attributes {stable_mosaic.version = 14 : i64} {
  func.func @body(%arg0: i32, %arg1: memref<2048x128xf32, #tpu.memory_space<vmem>>, %arg2: memref<2048x128xf32, #tpu.memory_space<vmem>>, %arg3: memref<2048x128xf32, #tpu.memory_space<vmem>>) attributes {dimension_semantics = [#tpu.dimension_semantics<arbitrary>], iteration_bounds = array<i64: 5>, scalar_prefetch = 0 : i64, scratch_operands = 0 : i64, tpu.core_type = #tpu.core_type<tc>, window_params = [{transform_indices = @transform_0, window_bounds = array<i64: 2048, 128>}, {transform_indices = @transform_1, window_bounds = array<i64: 2048, 128>}, {transform_indices = @transform_2, window_bounds = array<i64: 2048, 128>}]} {
    %get3A = arith.constant 0 : index
    %get3A_0 = arith.constant 0 : index
    %get3A_1 = vector.load %arg1[%get3A, %get3A_0] : memref<2048x128xf32, #tpu.memory_space<vmem>>, vector<2048x1xf32>
    %add3A = arith.constant 1.000000e+00 : f32
    %add3A_2 = vector.broadcast %add3A : f32 to vector<2048x1xf32>
    %add3A_3 = arith.addf %add3A_2, %get3A_1 : vector<2048x1xf32>
    %get3A_4 = arith.constant 0 : index
    %get3A_5 = arith.constant 0 : index
    %get3A_6 = vector.load %arg2[%get3A_4, %get3A_5] : memref<2048x128xf32, #tpu.memory_space<vmem>>, vector<2048x1xf32>
    %add3A_7 = arith.addf %add3A_3, %get3A_6 : vector<2048x1xf32>
    %iota3A = tpu.iota {dimensions = array<i32: 0>} : vector<2048x1xi32>
    %mul3A = arith.constant 2048 : i32
    %mul3A_8 = arith.muli %arg0, %mul3A : i32
    %add3A_9 = vector.broadcast %mul3A_8 : i32 to vector<2048x1xi32>
    %add3A_10 = arith.addi %iota3A, %add3A_9 : vector<2048x1xi32>
    %lt3A = arith.constant 10000 : i32
    %lt3A_11 = vector.broadcast %lt3A : i32 to vector<2048x1xi32>
    %lt3A_12 = arith.cmpi slt, %add3A_10, %lt3A_11 : vector<2048x1xi32>
    %rsqrt3A = math.rsqrt %add3A_7 : vector<2048x1xf32>
    %jit3A = arith.constant 0.000000e+00 : f32
    %broadcast_in_dim3A = vector.broadcast %jit3A : f32 to vector<2048x1xf32>
    %select_n3A = arith.select %lt3A_12, %rsqrt3A, %broadcast_in_dim3A : vector<2048x1xi1>, vector<2048x1xf32>
    %broadcast_in_dim3A_13 = vector.shape_cast %select_n3A : vector<2048x1xf32> to vector<2048x1xf32>
    %broadcast_in_dim3A_14 = vector.broadcast %broadcast_in_dim3A_13 : vector<2048x1xf32> to vector<2048x128xf32>
    %swap3A = arith.constant 0 : index
    %swap3A_15 = arith.constant 0 : index
    %swap3A_16 = vector.load %arg3[%swap3A, %swap3A_15] : memref<2048x128xf32, #tpu.memory_space<vmem>>, vector<2048x128xf32>
    tpu.vector_store %arg3[%swap3A, %swap3A_15], %broadcast_in_dim3A_14 {strides = array<i32>} : memref<2048x128xf32, #tpu.memory_space<vmem>>, vector<2048x128xf32>,
    return
  }
  func.func @transform_0(%arg0: i32) -> (i32, i32) {
    %c0_i32 = arith.constant 0 : i32
    %c0_i32_0 = arith.constant 0 : i32
    return %arg0, %c0_i32 : i32, i32
  }
  func.func @transform_1(%arg0: i32) -> (i32, i32) {
    %add3A = arith.constant 5 : i32
    %add3A_0 = arith.addi %arg0, %add3A : i32
    %c0_i32 = arith.constant 0 : i32
    %c0_i32_1 = arith.constant 0 : i32
    return %add3A_0, %c0_i32 : i32, i32
  }
  func.func @transform_2(%arg0: i32) -> (i32, i32) {
    %c0_i32 = arith.constant 0 : i32
    %c0_i32_0 = arith.constant 0 : i32
    return %arg0, %c0_i32 : i32, i32
  }
}

module attributes {stable_mosaic.version = 14 : i64} {
  func.func @body(%arg0: i32, %arg1: i32, %arg2: memref<2048x256xf32, #tpu.memory_space<vmem>>, %arg3: memref<256x128xf32, #tpu.memory_space<vmem>>, %arg4: memref<2048x128xf32, #tpu.memory_space<vmem>>, %arg5: memref<2048x128xf32, #tpu.memory_space<vmem>>) attributes {dimension_semantics = [#tpu.dimension_semantics<arbitrary>, #tpu.dimension_semantics<arbitrary>], iteration_bounds = array<i64: 4, 5>, scalar_prefetch = 0 : i64, scratch_operands = 0 : i64, tpu.core_type = #tpu.core_type<tc>, window_params = [{transform_indices = @transform_0, window_bounds = array<i64: 2048, 256>}, {transform_indices = @transform_1, window_bounds = array<i64: 256, 128>}, {transform_indices = @transform_2, window_bounds = array<i64: 2048, 128>}, {transform_indices = @transform_3, window_bounds = array<i64: 2048, 128>}]} {
    %get3A = arith.constant 0 : index
    %get3A_0 = arith.constant 0 : index
    %get3A_1 = vector.load %arg4[%get3A, %get3A_0] : memref<2048x128xf32, #tpu.memory_space<vmem>>, vector<2048x1xf32>
    %get3A_2 = arith.constant 0 : index
    %get3A_3 = arith.constant 0 : index
    %get3A_4 = vector.load %arg2[%get3A_2, %get3A_3] : memref<2048x256xf32, #tpu.memory_space<vmem>>, vector<2048x256xf32>
    %get3A_5 = arith.constant 0 : index
    %get3A_6 = arith.constant 0 : index
    %get3A_7 = vector.load %arg3[%get3A_5, %get3A_6] : memref<256x128xf32, #tpu.memory_space<vmem>>, vector<256x128xf32>
    %dot_general3A = arith.constant dense<0.000000e+00> : vector<2048x128xf32>
    %dot_general3A_8 = tpu.matmul %get3A_4, %get3A_7, %dot_general3A {dimension_numbers = #tpu.dot_dimension_numbers<[1], [0], [0], [1], [0, 0, 1, 1], [], []>, precision = #tpu.contract_precision<fp32>, transpose_lhs_hint = false} : vector<2048x256xf32>, vector<256x128xf32>, vector<2048x128xf32> -> vector<2048x128xf32>
    %mul3A = vector.broadcast %get3A_1 : vector<2048x1xf32> to vector<2048x128xf32>
    %mul3A_9 = arith.mulf %mul3A, %dot_general3A_8 : vector<2048x128xf32>
    %swap3A = arith.constant 0 : index
    %swap3A_10 = arith.constant 0 : index
    %swap3A_11 = vector.load %arg5[%swap3A, %swap3A_10] : memref<2048x128xf32, #tpu.memory_space<vmem>>, vector<2048x128xf32>
    tpu.vector_store %arg5[%swap3A, %swap3A_10], %mul3A_9 {strides = array<i32>} : memref<2048x128xf32, #tpu.memory_space<vmem>>, vector<2048x128xf32>,
    return
  }
  func.func @transform_0(%arg0: i32, %arg1: i32) -> (i32, i32) {
    %c0_i32 = arith.constant 0 : i32
    %c0_i32_0 = arith.constant 0 : i32
    return %arg1, %c0_i32 : i32, i32
  }
  func.func @transform_1(%arg0: i32, %arg1: i32) -> (i32, i32) {
    %c0_i32 = arith.constant 0 : i32
    %c0_i32_0 = arith.constant 0 : i32
    return %c0_i32, %arg0 : i32, i32
  }
  func.func @transform_2(%arg0: i32, %arg1: i32) -> (i32, i32) {
    %c0_i32 = arith.constant 0 : i32
    %c0_i32_0 = arith.constant 0 : i32
    return %arg1, %c0_i32 : i32, i32
  }
  func.func @transform_3(%arg0: i32, %arg1: i32) -> (i32, i32) {
    %mul3A = arith.constant 5 : i32
    %mul3A_0 = arith.muli %arg0, %mul3A : i32
    %add3A = arith.addi %mul3A_0, %arg1 : i32
    %c0_i32 = arith.constant 0 : i32
    %c0_i32_1 = arith.constant 0 : i32
    return %add3A, %c0_i32 : i32, i32
  }
}

module attributes {stable_mosaic.version = 14 : i64} {
  func.func @body(%arg0: i32, %arg1: i32, %arg2: i32, %arg3: memref<2048x128xf32, #tpu.memory_space<vmem>>, %arg4: memref<1x1x128xf32, #tpu.memory_space<vmem>>, %arg5: memref<128x128xf32, #tpu.memory_space<vmem>>, %arg6: memref<2048x128xf32, #tpu.memory_space<vmem>>, %arg7: memref<2048x128xf32, #tpu.memory_space<vmem>>) attributes {dimension_semantics = [#tpu.dimension_semantics<arbitrary>, #tpu.dimension_semantics<arbitrary>, #tpu.dimension_semantics<arbitrary>], iteration_bounds = array<i64: 4, 5, 4>, scalar_prefetch = 0 : i64, scratch_operands = 0 : i64, tpu.core_type = #tpu.core_type<tc>, window_params = [{transform_indices = @transform_0, window_bounds = array<i64: 2048, 128>}, {transform_indices = @transform_1, window_bounds = array<i64: 1, 1, 128>}, {transform_indices = @transform_2, window_bounds = array<i64: 128, 128>}, {transform_indices = @transform_3, window_bounds = array<i64: 2048, 128>}, {transform_indices = @transform_4, window_bounds = array<i64: 2048, 128>}]} {
    %get3A = arith.constant 0 : index
    %get3A_0 = arith.constant 0 : index
    %get3A_1 = vector.load %arg6[%get3A, %get3A_0] : memref<2048x128xf32, #tpu.memory_space<vmem>>, vector<2048x1xf32>
    %get3A_2 = arith.constant 0 : index
    %get3A_3 = arith.constant 0 : index
    %get3A_4 = vector.load %arg3[%get3A_2, %get3A_3] : memref<2048x128xf32, #tpu.memory_space<vmem>>, vector<2048x128xf32>
    %mul3A = vector.broadcast %get3A_1 : vector<2048x1xf32> to vector<2048x128xf32>
    %mul3A_5 = arith.mulf %mul3A, %get3A_4 : vector<2048x128xf32>
    %get3A_6 = arith.constant 0 : index
    %get3A_7 = arith.constant 0 : index
    %get3A_8 = arith.constant 0 : index
    %get3A_9 = vector.load %arg4[%get3A_6, %get3A_7, %get3A_8] : memref<1x1x128xf32, #tpu.memory_space<vmem>>, vector<1x1x128xf32>
    %get3A_10 = vector.shape_cast %get3A_9 : vector<1x1x128xf32> to vector<1x128xf32>
    %add3A = vector.broadcast %get3A_10 : vector<1x128xf32> to vector<2048x128xf32>
    %add3A_11 = arith.addf %mul3A_5, %add3A : vector<2048x128xf32>
    %max3A = arith.constant 0.000000e+00 : f32
    %max3A_12 = vector.broadcast %max3A : f32 to vector<2048x128xf32>
    %max3A_13 = arith.maximumf %add3A_11, %max3A_12 : vector<2048x128xf32>
    %get3A_14 = arith.constant 0 : index
    %get3A_15 = arith.constant 0 : index
    %get3A_16 = vector.load %arg5[%get3A_14, %get3A_15] : memref<128x128xf32, #tpu.memory_space<vmem>>, vector<128x128xf32>
    %dot_general3A = arith.constant dense<0.000000e+00> : vector<2048x128xf32>
    %dot_general3A_17 = tpu.matmul %max3A_13, %get3A_16, %dot_general3A {dimension_numbers = #tpu.dot_dimension_numbers<[1], [0], [0], [1], [0, 0, 1, 1], [], []>, precision = #tpu.contract_precision<fp32>, transpose_lhs_hint = false} : vector<2048x128xf32>, vector<128x128xf32>, vector<2048x128xf32> -> vector<2048x128xf32>
    %eq3A = arith.constant 0 : i32
    %eq3A_18 = arith.cmpi eq, %arg2, %eq3A : i32
    %convert_element_type3A = arith.extui %eq3A_18 : i1 to i32
    %cond3A = arith.constant 0 : i32
    %cond3A_19 = arith.cmpi ne, %convert_element_type3A, %cond3A : i32
    scf.if %cond3A_19 {
      %swap3A = arith.constant 0 : index
      %swap3A_29 = arith.constant 0 : index
      %swap3A_30 = vector.load %arg7[%swap3A, %swap3A_29] : memref<2048x128xf32, #tpu.memory_space<vmem>>, vector<2048x128xf32>
      tpu.vector_store %arg7[%swap3A, %swap3A_29], %dot_general3A_17 {strides = array<i32>} : memref<2048x128xf32, #tpu.memory_space<vmem>>, vector<2048x128xf32>,
    } else {
    }
    %gt3A = arith.constant 0 : i32
    %gt3A_20 = arith.cmpi sgt, %arg2, %gt3A : i32
    %convert_element_type3A_21 = arith.extui %gt3A_20 : i1 to i32
    %cond3A_22 = arith.constant 0 : i32
    %cond3A_23 = arith.cmpi ne, %convert_element_type3A_21, %cond3A_22 : i32
    scf.if %cond3A_23 {
      %get3A_29 = arith.constant 0 : index
      %get3A_30 = arith.constant 0 : index
      %get3A_31 = vector.load %arg7[%get3A_29, %get3A_30] : memref<2048x128xf32, #tpu.memory_space<vmem>>, vector<2048x128xf32>
      %add3A_32 = arith.addf %get3A_31, %dot_general3A_17 : vector<2048x128xf32>
      %swap3A = arith.constant 0 : index
      %swap3A_33 = arith.constant 0 : index
      %swap3A_34 = vector.load %arg7[%swap3A, %swap3A_33] : memref<2048x128xf32, #tpu.memory_space<vmem>>, vector<2048x128xf32>
      tpu.vector_store %arg7[%swap3A, %swap3A_33], %add3A_32 {strides = array<i32>} : memref<2048x128xf32, #tpu.memory_space<vmem>>, vector<2048x128xf32>,
    } else {
    }
    %eq3A_24 = arith.constant 3 : i32
    %eq3A_25 = arith.cmpi eq, %arg2, %eq3A_24 : i32
    %convert_element_type3A_26 = arith.extui %eq3A_25 : i1 to i32
    %cond3A_27 = arith.constant 0 : i32
    %cond3A_28 = arith.cmpi ne, %convert_element_type3A_26, %cond3A_27 : i32
    scf.if %cond3A_28 {
      %get3A_29 = arith.constant 0 : index
      %get3A_30 = arith.constant 0 : index
      %get3A_31 = vector.load %arg7[%get3A_29, %get3A_30] : memref<2048x128xf32, #tpu.memory_space<vmem>>, vector<2048x128xf32>
      %mul3A_32 = vector.broadcast %get3A_1 : vector<2048x1xf32> to vector<2048x128xf32>
      %mul3A_33 = arith.mulf %get3A_31, %mul3A_32 : vector<2048x128xf32>
      %swap3A = arith.constant 0 : index
      %swap3A_34 = arith.constant 0 : index
      %swap3A_35 = vector.load %arg7[%swap3A, %swap3A_34] : memref<2048x128xf32, #tpu.memory_space<vmem>>, vector<2048x128xf32>
      tpu.vector_store %arg7[%swap3A, %swap3A_34], %mul3A_33 {strides = array<i32>} : memref<2048x128xf32, #tpu.memory_space<vmem>>, vector<2048x128xf32>,
    } else {
    }
    return
  }
  func.func @transform_0(%arg0: i32, %arg1: i32, %arg2: i32) -> (i32, i32) {
    %mul3A = arith.constant 5 : i32
    %mul3A_0 = arith.muli %arg2, %mul3A : i32
    %add3A = arith.addi %mul3A_0, %arg1 : i32
    %c0_i32 = arith.constant 0 : i32
    %c0_i32_1 = arith.constant 0 : i32
    return %add3A, %c0_i32 : i32, i32
  }
  func.func @transform_1(%arg0: i32, %arg1: i32, %arg2: i32) -> (i32, i32, i32) {
    %c0_i32 = arith.constant 0 : i32
    %c0_i32_0 = arith.constant 0 : i32
    %c0_i32_1 = arith.constant 0 : i32
    return %arg2, %c0_i32, %c0_i32_0 : i32, i32, i32
  }
  func.func @transform_2(%arg0: i32, %arg1: i32, %arg2: i32) -> (i32, i32) {
    %c0_i32 = arith.constant 0 : i32
    return %arg2, %arg0 : i32, i32
  }
  func.func @transform_3(%arg0: i32, %arg1: i32, %arg2: i32) -> (i32, i32) {
    %c0_i32 = arith.constant 0 : i32
    %c0_i32_0 = arith.constant 0 : i32
    return %arg1, %c0_i32 : i32, i32
  }
  func.func @transform_4(%arg0: i32, %arg1: i32, %arg2: i32) -> (i32, i32) {
    %mul3A = arith.constant 5 : i32
    %mul3A_0 = arith.muli %arg0, %mul3A : i32
    %add3A = arith.addi %mul3A_0, %arg1 : i32
    %c0_i32 = arith.constant 0 : i32
    %c0_i32_1 = arith.constant 0 : i32
    return %add3A, %c0_i32 : i32, i32
  }
}

module attributes {stable_mosaic.version = 14 : i64} {
  func.func @body(%arg0: i32, %arg1: i32, %arg2: memref<2048x128xf32, #tpu.memory_space<vmem>>, %arg3: memref<1x1x128xf32, #tpu.memory_space<vmem>>, %arg4: memref<128x64xf32, #tpu.memory_space<vmem>>, %arg5: memref<2048x128xf32, #tpu.memory_space<vmem>>, %arg6: memref<2048x64xf32, #tpu.memory_space<vmem>>) attributes {dimension_semantics = [#tpu.dimension_semantics<arbitrary>, #tpu.dimension_semantics<arbitrary>], iteration_bounds = array<i64: 5, 4>, scalar_prefetch = 0 : i64, scratch_operands = 0 : i64, tpu.core_type = #tpu.core_type<tc>, window_params = [{transform_indices = @transform_0, window_bounds = array<i64: 2048, 128>}, {transform_indices = @transform_1, window_bounds = array<i64: 1, 1, 128>}, {transform_indices = @transform_2, window_bounds = array<i64: 128, 64>}, {transform_indices = @transform_3, window_bounds = array<i64: 2048, 128>}, {transform_indices = @transform_4, window_bounds = array<i64: 2048, 64>}]} {
    %get3A = arith.constant 0 : index
    %get3A_0 = arith.constant 0 : index
    %get3A_1 = vector.load %arg5[%get3A, %get3A_0] : memref<2048x128xf32, #tpu.memory_space<vmem>>, vector<2048x1xf32>
    %get3A_2 = arith.constant 0 : index
    %get3A_3 = arith.constant 0 : index
    %get3A_4 = vector.load %arg2[%get3A_2, %get3A_3] : memref<2048x128xf32, #tpu.memory_space<vmem>>, vector<2048x128xf32>
    %mul3A = vector.broadcast %get3A_1 : vector<2048x1xf32> to vector<2048x128xf32>
    %mul3A_5 = arith.mulf %mul3A, %get3A_4 : vector<2048x128xf32>
    %get3A_6 = arith.constant 0 : index
    %get3A_7 = arith.constant 0 : index
    %get3A_8 = arith.constant 0 : index
    %get3A_9 = vector.load %arg3[%get3A_6, %get3A_7, %get3A_8] : memref<1x1x128xf32, #tpu.memory_space<vmem>>, vector<1x1x128xf32>
    %get3A_10 = vector.shape_cast %get3A_9 : vector<1x1x128xf32> to vector<1x128xf32>
    %add3A = vector.broadcast %get3A_10 : vector<1x128xf32> to vector<2048x128xf32>
    %add3A_11 = arith.addf %mul3A_5, %add3A : vector<2048x128xf32>
    %max3A = arith.constant 0.000000e+00 : f32
    %max3A_12 = vector.broadcast %max3A : f32 to vector<2048x128xf32>
    %max3A_13 = arith.maximumf %add3A_11, %max3A_12 : vector<2048x128xf32>
    %get3A_14 = arith.constant 0 : index
    %get3A_15 = arith.constant 0 : index
    %get3A_16 = vector.load %arg4[%get3A_14, %get3A_15] : memref<128x64xf32, #tpu.memory_space<vmem>>, vector<128x64xf32>
    %dot_general3A = arith.constant dense<0.000000e+00> : vector<2048x64xf32>
    %dot_general3A_17 = tpu.matmul %max3A_13, %get3A_16, %dot_general3A {dimension_numbers = #tpu.dot_dimension_numbers<[1], [0], [0], [1], [0, 0, 1, 1], [], []>, precision = #tpu.contract_precision<fp32>, transpose_lhs_hint = false} : vector<2048x128xf32>, vector<128x64xf32>, vector<2048x64xf32> -> vector<2048x64xf32>
    %eq3A = arith.constant 0 : i32
    %eq3A_18 = arith.cmpi eq, %arg1, %eq3A : i32
    %convert_element_type3A = arith.extui %eq3A_18 : i1 to i32
    %cond3A = arith.constant 0 : i32
    %cond3A_19 = arith.cmpi ne, %convert_element_type3A, %cond3A : i32
    scf.if %cond3A_19 {
      %swap3A = arith.constant 0 : index
      %swap3A_29 = arith.constant 0 : index
      %swap3A_30 = vector.load %arg6[%swap3A, %swap3A_29] : memref<2048x64xf32, #tpu.memory_space<vmem>>, vector<2048x64xf32>
      tpu.vector_store %arg6[%swap3A, %swap3A_29], %dot_general3A_17 {strides = array<i32>} : memref<2048x64xf32, #tpu.memory_space<vmem>>, vector<2048x64xf32>,
    } else {
    }
    %gt3A = arith.constant 0 : i32
    %gt3A_20 = arith.cmpi sgt, %arg1, %gt3A : i32
    %convert_element_type3A_21 = arith.extui %gt3A_20 : i1 to i32
    %cond3A_22 = arith.constant 0 : i32
    %cond3A_23 = arith.cmpi ne, %convert_element_type3A_21, %cond3A_22 : i32
    scf.if %cond3A_23 {
      %get3A_29 = arith.constant 0 : index
      %get3A_30 = arith.constant 0 : index
      %get3A_31 = vector.load %arg6[%get3A_29, %get3A_30] : memref<2048x64xf32, #tpu.memory_space<vmem>>, vector<2048x64xf32>
      %add3A_32 = arith.addf %get3A_31, %dot_general3A_17 : vector<2048x64xf32>
      %swap3A = arith.constant 0 : index
      %swap3A_33 = arith.constant 0 : index
      %swap3A_34 = vector.load %arg6[%swap3A, %swap3A_33] : memref<2048x64xf32, #tpu.memory_space<vmem>>, vector<2048x64xf32>
      tpu.vector_store %arg6[%swap3A, %swap3A_33], %add3A_32 {strides = array<i32>} : memref<2048x64xf32, #tpu.memory_space<vmem>>, vector<2048x64xf32>,
    } else {
    }
    %eq3A_24 = arith.constant 3 : i32
    %eq3A_25 = arith.cmpi eq, %arg1, %eq3A_24 : i32
    %convert_element_type3A_26 = arith.extui %eq3A_25 : i1 to i32
    %cond3A_27 = arith.constant 0 : i32
    %cond3A_28 = arith.cmpi ne, %convert_element_type3A_26, %cond3A_27 : i32
    scf.if %cond3A_28 {
      %get3A_29 = arith.constant 0 : index
      %get3A_30 = arith.constant 0 : index
      %get3A_31 = vector.load %arg6[%get3A_29, %get3A_30] : memref<2048x64xf32, #tpu.memory_space<vmem>>, vector<2048x64xf32>
      %reduce_max3A = arith.constant dense<0xFF800000> : vector<2048xf32>
      %reduce_max3A_32 = vector.multi_reduction <maximumf>, %get3A_31, %reduce_max3A [1] : vector<2048x64xf32> to vector<2048xf32>
      %broadcast_in_dim3A = vector.shape_cast %reduce_max3A_32 : vector<2048xf32> to vector<2048x1xf32>
      %sub3A = vector.broadcast %broadcast_in_dim3A : vector<2048x1xf32> to vector<2048x64xf32>
      %sub3A_33 = arith.subf %get3A_31, %sub3A : vector<2048x64xf32>
      %exp3A = math.exp %sub3A_33 : vector<2048x64xf32>
      %sub3A_34 = vector.broadcast %broadcast_in_dim3A : vector<2048x1xf32> to vector<2048x64xf32>
      %sub3A_35 = arith.subf %get3A_31, %sub3A_34 : vector<2048x64xf32>
      %reduce_sum3A = arith.constant dense<0.000000e+00> : vector<2048xf32>
      %reduce_sum3A_36 = vector.multi_reduction <add>, %exp3A, %reduce_sum3A [1] : vector<2048x64xf32> to vector<2048xf32>
      %broadcast_in_dim3A_37 = vector.shape_cast %reduce_sum3A_36 : vector<2048xf32> to vector<2048x1xf32>
      %log3A = math.log %broadcast_in_dim3A_37 : vector<2048x1xf32>
      %sub3A_38 = vector.broadcast %log3A : vector<2048x1xf32> to vector<2048x64xf32>
      %sub3A_39 = arith.subf %sub3A_35, %sub3A_38 : vector<2048x64xf32>
      %swap3A = arith.constant 0 : index
      %swap3A_40 = arith.constant 0 : index
      %swap3A_41 = vector.load %arg6[%swap3A, %swap3A_40] : memref<2048x64xf32, #tpu.memory_space<vmem>>, vector<2048x64xf32>
      tpu.vector_store %arg6[%swap3A, %swap3A_40], %sub3A_39 {strides = array<i32>} : memref<2048x64xf32, #tpu.memory_space<vmem>>, vector<2048x64xf32>,
    } else {
    }
    return
  }
  func.func @transform_0(%arg0: i32, %arg1: i32) -> (i32, i32) {
    %mul3A = arith.constant 5 : i32
    %mul3A_0 = arith.muli %arg1, %mul3A : i32
    %add3A = arith.addi %mul3A_0, %arg0 : i32
    %c0_i32 = arith.constant 0 : i32
    %c0_i32_1 = arith.constant 0 : i32
    return %add3A, %c0_i32 : i32, i32
  }
  func.func @transform_1(%arg0: i32, %arg1: i32) -> (i32, i32, i32) {
    %c0_i32 = arith.constant 0 : i32
    %c0_i32_0 = arith.constant 0 : i32
    %c0_i32_1 = arith.constant 0 : i32
    return %arg1, %c0_i32, %c0_i32_0 : i32, i32, i32
  }
  func.func @transform_2(%arg0: i32, %arg1: i32) -> (i32, i32) {
    %c0_i32 = arith.constant 0 : i32
    %c0_i32_0 = arith.constant 0 : i32
    return %arg1, %c0_i32 : i32, i32
  }
  func.func @transform_3(%arg0: i32, %arg1: i32) -> (i32, i32) {
    %c0_i32 = arith.constant 0 : i32
    %c0_i32_0 = arith.constant 0 : i32
    return %arg0, %c0_i32 : i32, i32
  }
  func.func @transform_4(%arg0: i32, %arg1: i32) -> (i32, i32) {
    %c0_i32 = arith.constant 0 : i32
    %c0_i32_0 = arith.constant 0 : i32
    return %arg0, %c0_i32 : i32, i32
  }
}

</mosaic_0001>

<sc_bundles>
// kernel: kernel.12.cloned.1.call-start
scs
__scs_entry_jumppad:
0x0: {  	(pc) =	sbr.rel $0x88, $3  }
0x1: {  	(tag) =	ssettag $0x0;
	lr =	simm.s32 $0x1  }
0x2: {  	[smem:$0x3F97] =	sst lr;
	_ =	strace $0xD0000000  }
0x3: {  	_ = 	snop  }
0x4: {  	_ = 	snop  }
0x5: {  	_ = 	snop  }
0x6: {  	_ = 	snop  }
0x7: {  	_ = 	snop  }
__scs_overlays_trampoline_lowered:
0x8: {  	[smem:$0x3FA6] =	sst s0  }
0x9: {  	[smem:$0x3FA7] =	sst s1  }
0xa: {  	[smem:$0x3FA8] =	sst s2  }
0xb: {  	[smem:$0x3FA9] =	sst s3  }
0xc: {  	[smem:$0x3FAA] =	sst s4  }
0xd: {  	[smem:$0x3FAB] =	sst s5  }
0xe: {  	[smem:$0x3FAC] =	sst s6  }
0xf: {  	[smem:$0x3FAD] =	sst s7  }
0x10: {  	[smem:$0x3FAE] =	sst s8  }
0x11: {  	[smem:$0x3FAF] =	sst s9;
	s0 =	simm.s32 @!p0 $0x0  }
0x12: {  	s1 =	sld [smem:$0x3F95];
	s0 =	simm.s32 @p0 $0x1  }
0x13: {  	[smem:$0x3FB0] =	sst s0;
	s0 =	simm.s32 @!p1 $0x0  }
0x14: {  	s2 =	sld [smem:$0x3F94];
	s0 =	simm.s32 @p1 $0x1  }
0x15: {  	[smem:$0x3FB1] =	sst s0;
	s0 =	simm.s32 @!p2 $0x0  }
0x16: {  	s3 =	sld [smem:$0x3FDB];
	s0 =	simm.s32 @p2 $0x1  }
0x17: {  	s4 =	simm.s32 $0x1BF5;
	[smem:$0x3FB3] =	sst s0  }
0x18: {  	s0 =	sld [smem:$0x3F96];
	_ =	swait.ge [sflag:s4], $0x0  }
0x19: {  	s7 =	sld [smem:$0x3F97]  }
0x1a: {  	s8 =	sadd.s32 $0xFFFFE003, lr  }
0x1b: {  	s9 =	sadd.s32 $0xFFFFFEF7, lr;
	s5 =	simm.s32 $0xFFFFFFFF;
	p2 =	slt.u32 s8, $0xFFFFF086  }
0x1c: {  	p1 =	slt.u32 s9, $0xF7A;
	s5 =	simm.s32 @!p2 $0x0  }
0x1d: {  	s5 =	simm.s32 @p1 $0x1;
	p0 =	seq.s32 s7, s2  }
0x1e: {  	s7 =	smul.u32 @!p0 $0xF7A, s2;
	p2 =	seq.s32 @!p0 s5, $0x0  }
0x1f: {  	s9 =	smul.u32 $0xF7A, s1;
	s8 =	simm.s32 @!p0 $0x1BF5;
	p2 =	por !p2, p0  }
0x20: {  	[sflag:s8] =	ssyncset.s32 @!p0 $0xFFFFF086;
	s6 =	sadd.s32 @!p0 s3, s7;
	s7 =	simm.s32 @!p0 $0x108  }
0x21: {  	s3 =	sadd.s32 s3, s9;
	s6 =	sadd.s32 @!p0 $0x88, s6;
	s7 =	simm.s32 @p2 $0x1082  }
0x22: {  	[simem:s7], [sflag:s8] =	dma.local @!p0 [hbm:s6], $0xF7A  }
0x23: {  	s9 =	sor.u32 $0xD0000000, s2;
	s6 =	simm.s32 $0x108;
	_ =	swait.ge @!p0 [sflag:s8], $0x0  }
0x24: {  	s3 =	sadd.s32 $0x88, s3;
	s6 =	simm.s32 @!p1 $0x1082;
	[sflag:s4] =	ssyncset.s32 $0xFFFFF086  }
0x25: {  	[simem:s6], [sflag:s4] =	dma.local [hbm:s3], $0xF7A  }
0x26: {  	[smem:$0x3F97] =	sst s1;
	(tag) =	ssettag s2;
	_ =	strace s9  }
0x27: {  	s1 =	sld [smem:$0x3FA7]  }
0x28: {  	s2 =	sld [smem:$0x3FA8]  }
0x29: {  	s4 =	sld [smem:$0x3FAA]  }
0x2a: {  	p0 =	seq.s32 s5, $0x0;
	s5 =	sld [smem:$0x3FAB]  }
0x2b: {  	s6 =	sld [smem:$0x3FAC]  }
0x2c: {  	s7 =	sld [smem:$0x3FAD]  }
0x2d: {  	s3 =	simm.s32 $0x108;
	s8 =	sld [smem:$0x3FAE]  }
0x2e: {  	s3 =	simm.s32 @!p0 $0x1082;
	s9 =	sld [smem:$0x3FAF]  }
0x2f: {  	lr =	sadd.s32 s0, s3;
	s0 =	sld [smem:$0x3FA6]  }
0x30: {  	s3 =	sld [smem:$0x3FA9]  }
0x31: {  	[smem:$0x3FB2] =	sst s10  }
0x32: {  	s10 =	sld [smem:$0x3FB0];
	_ =	sdelay $0x3  }
0x33: {  	p0 =	seq.s32 s10, $0x1;
	s10 =	sld [smem:$0x3FB2];
	_ =	sdelay $0x3  }
0x34: {  	[smem:$0x3FB2] =	sst s10  }
0x35: {  	s10 =	sld [smem:$0x3FB1];
	_ =	sdelay $0x3  }
0x36: {  	p1 =	seq.s32 s10, $0x1;
	s10 =	sld [smem:$0x3FB2];
	_ =	sdelay $0x3  }
0x37: {  	[smem:$0x3FB2] =	sst s10  }
0x38: {  	s10 =	sld [smem:$0x3FB3]  }
0x39: {  	_ = 	snop;
	(pc) =	sbr.ind lr, $3  }
0x3a: {  	_ = 	snop  }
0x3b: {  	_ = 	snop  }
0x3c: {  	p2 =	seq.s32 s10, $0x1;
	s10 =	sld [smem:$0x3FB2]  }
0x3d: {  	_ =	shalt  }
0x3e: {  	_ =	shalt  }
0x3f: {  	_ =	shalt  }
0x40: {  	_ =	shalt  }
0x41: {  	_ =	shalt  }
0x42: {  	_ =	shalt  }
0x43: {  	_ =	shalt  }
0x44: {  	_ =	shalt  }
0x45: {  	_ =	shalt  }
0x46: {  	_ =	shalt  }
0x47: {  	_ =	shalt  }
0x48: {  	_ =	shalt  }
0x49: {  	_ =	shalt  }
0x4a: {  	_ =	shalt  }
0x4b: {  	_ =	shalt  }
0x4c: {  	_ =	shalt  }
0x4d: {  	_ =	shalt  }
0x4e: {  	_ =	shalt  }
0x4f: {  	_ =	shalt  }
0x50: {  	_ =	shalt  }
0x51: {  	_ =	shalt  }
0x52: {  	_ =	shalt  }
0x53: {  	_ =	shalt  }
0x54: {  	_ =	shalt  }
0x55: {  	_ =	shalt  }
0x56: {  	_ =	shalt  }
0x57: {  	_ =	shalt  }
0x58: {  	_ =	shalt  }
0x59: {  	_ =	shalt  }
0x5a: {  	_ =	shalt  }
0x5b: {  	_ =	shalt  }
0x5c: {  	_ =	shalt  }
0x5d: {  	_ =	shalt  }
0x5e: {  	_ =	shalt  }
0x5f: {  	_ =	shalt  }
0x60: {  	_ =	shalt  }
0x61: {  	_ =	shalt  }
0x62: {  	_ =	shalt  }
0x63: {  	_ =	shalt  }
0x64: {  	_ =	shalt  }
0x65: {  	_ =	shalt  }
0x66: {  	_ =	shalt  }
0x67: {  	_ =	shalt  }
0x68: {  	_ =	shalt  }
0x69: {  	_ =	shalt  }
0x6a: {  	_ =	shalt  }
0x6b: {  	_ =	shalt  }
0x6c: {  	_ =	shalt  }
0x6d: {  	_ =	shalt  }
0x6e: {  	_ =	shalt  }
0x6f: {  	_ =	shalt  }
0x70: {  	_ =	shalt  }
0x71: {  	_ =	shalt  }
0x72: {  	_ =	shalt  }
0x73: {  	_ =	shalt  }
0x74: {  	_ =	shalt  }
0x75: {  	_ =	shalt  }
0x76: {  	_ =	shalt  }
0x77: {  	_ =	shalt  }
0x78: {  	_ =	shalt  }
0x79: {  	_ =	shalt  }
0x7a: {  	_ =	shalt  }
0x7b: {  	_ =	shalt  }
0x7c: {  	_ =	shalt  }
0x7d: {  	_ =	shalt  }
0x7e: {  	_ =	shalt  }
0x7f: {  	_ =	shalt  }
0x80: {  	_ =	shalt  }
0x81: {  	_ =	shalt  }
0x82: {  	_ =	shalt  }
0x83: {  	_ =	shalt  }
0x84: {  	_ =	shalt  }
0x85: {  	_ =	shalt  }
0x86: {  	_ =	shalt  }
0x87: {  	_ =	shalt  }
.Lfunc_end0:
.L_simem_size_0:
called_computation_lowered:
.L_overlay_start_0:
0x88: {  	s2 =	sld [smem:$0x3FD9]  }
0x89: {  	s3 =	sld [smem:$0x3FFE];
	_ =	sdelay $0x1  }
0x8a: {  	s1 =	srdreg.scid  }
0x8b: {  	s0 =	sand.u32 $0x1, s1  }
0x8c: {  	s17 =	sshll.u32 s0, $0xA;
	s2 =	sadd.s32 s3, s2  }
0x8d: {  	s2 =	sadd.s32 s2, s17  }
0x8e: {  	[smem:$0x3FBE] =	sst s2  }
0x8f: {  	_ = 	snop  }
0x90: {  	s2 =	sld [smem:$0x3FD0];
	(tm) =	ssettm $0x1  }
0x91: {  	s18 =	sld [smem:$0x3FFB];
	_ =	sdelay $0x3  }
0x92: {  	_ =	strace s18  }
0x93: {  	s3 =	sld [smem:$0x3FFC];
	_ =	sdelay $0x3  }
0x94: {  	_ =	strace s3  }
0x95: {  	s3 =	sld [smem:$0x3FFD];
	_ =	sdelay $0x3  }
0x96: {  	_ =	strace s3  }
0x97: {  	_ =	strace $0x8FFFFFFF  }
0x98: {  	s19 =	sld [smem:$0x3FDB];
	_ =	sdelay $0x1  }
0x99: {  	s4 =	simm.s32 $_scs_section_size  }
0x9a: {  	s5 =	simm.s32 $_size__tile_overlayer_lowered;
	s6 =	simm.s32 $_tile_overlayer_lowered  }
0x9b: {  	s22 =	simm.s32 $0x1BFF;
	s21 =	sshll.u32 s6, $0x1;
	s3 =	sadd.s32 s4, s19  }
0x9c: {  	s7 =	simm.s32 $0x0;
	s20 =	sshll.u32 s5, $0x1;
	s5 =	sadd.s32 s21, s3  }
0x9d: {  	[timem:s7], [sflag:s22] =	dma.local [hbm:s5], s20  }
0x9e: {  	_ =	swait.ge [sflag:s22], s20  }
0x9f: {  	s4 =	ssub.s32 $0x0, s20;
	[sflag:s22] =	ssyncset.done $0x0  }
0xa0: {  	[sflag:s22] =	ssyncadd.s32 s4;
	_ =	sdelay $0x1  }
0xa1: {  	s23 =	simm.s32 $0x1B8B  }
0xa2: {  	_ =	swait.ge [sflag:s23], $0x1  }
0xa3: {  	[sflag:s23] =	ssyncset.done $0x0  }
0xa4: {  	s25 =	simm.s32 $0x1B8E;
	s24 =	sld [smem:$0x3FFE];
	[sflag:s23] =	ssyncadd.s32 $0xFFFFFFFF  }
0xa5: {  	s26 =	simm.s32 $execute0_lowered;
	[smem:$0x3FD2] =	sst s25  }
0xa6: {  	s5 =	sshll.u32 s26, $0x1;
	_ =	strace $0x80000046;
	[dreg:$0x1] =	wrdreg $0xFFFFFFFF  }
0xa7: {  	s28 =	simm.s32 $_size_execute0_lowered;
	s3 =	sadd.s32 s3, s5;
	[dreg:$0x0] =	wrdreg $0x0  }
0xa8: {  	s5 =	sshll.u32 s28, $0x1;
	[dreg:$0x2] =	wrdreg s3  }
0xa9: {  	[dreg:$0x3] =	wrdreg s5  }
0xaa: {  	[dreg:$0x4] =	wrdreg $0xC0  }
0xab: {  	_ =	task [dreg:s7], $0x5FFFF  }
0xac: {  	[dreg:$0x1] =	wrdreg $0xFFFFFFFF  }
0xad: {  	[dreg:$0x0] =	wrdreg $0x60  }
0xae: {  	[dreg:$0x2] =	wrdreg s2  }
0xaf: {  	[dreg:$0x3] =	wrdreg s24  }
0xb0: {  	[dreg:$0x4] =	wrdreg $0x54000  }
0xb1: {  	[dreg:$0x5] =	wrdreg $0x9  }
0xb2: {  	_ =	task.clear_ibuf [dreg:s7], $0x6FFFF;
	_ =	strace $0x90000046  }
0xb3: {  	s29 =	simm.s32 $0x9;
	_ =	strace $0x80000048  }
0xb4: {  	_ =	swait.ge [sflag:s29], $0x1  }
0xb5: {  	[sflag:s29] =	ssyncadd.s32 $0xFFFFFFFF  }
0xb6: {  	_ =	strace $0x90000048  }
0xb7: {  	_ =	sfence  }
0xb8: {  	s30 =	sld [smem:$0x0];
	_ =	sdelay $0x2  }
0xb9: {  	s31 =	sshll.u32 s1, $0xD;
	s1 =	sshrl.u32 s1, $0x2  }
0xba: {  	s3 =	sand.u32 $0x4000, s31;
	s1 =	sadd.s32 s1, s30  }
0xbb: {  	s0 =	sor.u32 s3, s0;
	s1 =	sshll.u32 s1, $0x11  }
0xbc: {  	s0 =	sor.u32 s1, s0  }
0xbd: {  	s0 =	sadd.s32 $0x8F2B, s0  }
0xbe: {  	[sflag:s0] =	ssyncadd.remote.s32 $0x1  }
0xbf: {  	_ =	sfence.sel $0xFFFF  }
0xc0: {  	[dreg:$0x0] =	wrdreg $0xFFFFFFFF;
	(pc) =	sbr.abs _section_cstart, $3  }
0xc1: {  	[dreg:$0x1] =	wrdreg $0xFFFFFFFF  }
0xc2: {  	_ =	task.clear_ibuf [dreg:s7], $0x2FFFF;
	_ =	strace $0x9FFFFFFF  }
0xc3: {  	(tm) =	ssettm $0x7FFFFFFF  }
tec
execute0_lowered:
.L_overlay_start_1:
0x0: {  	(tag) =	ssettag $0x1  }
0x1: {  	s6 =	rddreg [dreg:$0x0]  }
0x2: {  	s5 =	rddreg [dreg:$0x1]  }
0x3: {  	s2 =	rddreg [dreg:$0x2]  }
0x4: {  	s0 =	rddreg [dreg:$0x3];
	s1 =	stileid.u32  }
0x5: {  	s4 =	srdreg.scid;
	s7 =	smul.u32 $0x2800, s1  }
0x6: {  	s3 =	simm.s32 $0x0;
	s13 =	simm.s32 $0x80;
	s12 =	smul.u32 $0x1400, s1  }
0x7: {  	s14 =	simm.s32 $0x0;
	s8 =	sand.u32 $0x1, s4;
	s25 =	smul.u32 $0x50000, s1  }
0x8: {  	[smem:$0x7FF] =	sst s3;
	s4 =	sadd.s32 $0x2A600, s5;
	s9 =	smul.u32 $0x28000, s8  }
0x9: {  	s31 =	sshll.u32 s1, $0x6;
	s10 =	smul.u32 $0x14000, s8;
	s8 =	ssub.s32 $0x2, s8  }
0xa: {  	_ =	strace $0x80000047;
	s11 =	sadd.s32 s7, s5;
	s26 =	sshrl.u32 s8, $0x1  }
0xb: {  	s28 =	sshrl.u32 s25, $0x2;
	s7 =	sadd.s32 s7, s9;
	s10 =	sadd.s32 s12, s10  }
0xc: {  	s8 =	ssub.s32 s8, s26;
	s30 =	sadd.s32 s28, s2;
	s9 =	simm.s32 $0x1400  }
0xd: {  	s7 =	sadd.s32 s7, s5;
	s29 =	sshrl.u32 s10, $0x3;
	s5 =	sadd.s32 $0x2600, s11  }
0xe: {  	s8 =	smax.u32 s8, $0x1;
	s10 =	simm.s32 $0x1;
	s11 =	sor.u32 $0x1C01, s31  }
0xf: {  	s12 =	sshrl.u32 s30, $0x3;
	s6 =	sadd.s32 s6, s29;
	s7 =	sadd.s32 $0x2AE00, s7  }
.LBB2_1:
0x10: {  	[tilespmem:s9], [sflag:$0x1] =	stream.linear.gather [hbm4b:s4+s3], $0x4000, $0x38;
	[tilespmem:$0x19400] =	vst v63  }
0x11: {  	_ =	swait.ge [sflag:s10], $0x4000  }
0x12: {  	[sflag:s10] =	ssyncset.done $0x0  }
0x13: {  	[sflag:s10] =	ssyncadd.s32 $0xFFFFC000  }
0x14: {  	[spmem:s12], [sflag:s11] =	dma.local [hbm:s5], $0x2800  }
0x15: {  	_ =	swait.ge [sflag:s10], $0x2800  }
0x16: {  	[sflag:s10] =	ssyncset.done $0x0  }
0x17: {  	[sflag:s10] =	ssyncadd.s32 $0xFFFFD800  }
0x18: {  	[tilespmem:s3], [sflag:$0x1] =	stream.linear.gather [hbm4b:s6+s3], $0x1400, $0x38;
	[tilespmem:$0x19400] =	vst v63  }
0x19: {  	_ =	swait.ge [sflag:s10], $0x1400  }
0x1a: {  	[sflag:s10] =	ssyncset.done $0x0  }
0x1b: {  	[sflag:s10] =	ssyncadd.s32 $0xFFFFEC00  }
0x1c: {  	s15 =	simm.s32 $0x0;
	[bflag:$0x0] =	sbarrier.arrive $0xFFFF  }
0x1d: {  	[spmem:s2] =	stream.indirect.scatter.add.f32 [tilespmem:s9], [sflag:$0x1], $0x80, s15, s13, $0xb8;
	[tilespmem:$0x19400] =	vst v63  }
0x1e: {  	_ =	swait.ge [sflag:s10], $0x4000  }
0x1f: {  	s15 =	simm.s32 $0x200;
	[sflag:s10] =	ssyncset.done $0x0  }
.LBB2_2:
0x20: {  	s16 =	sshra.s32 s15, $0x2;
	[sflag:s10] =	ssyncadd.s32 $0xFFFFC000;
	p0 =	sne.s32 s15, $0x4E00  }
0x21: {  	[spmem:s2] =	stream.indirect.scatter.add.f32 [tilespmem:s9], [sflag:$0x1], $0x80, s16, s13, $0xb8;
	[tilespmem:$0x19400] =	vst v63  }
.Ltmp0:
0x22: {  	_ = 	snop;
	(pc) =	sbr.rel @p0 .LBB2_2-.Ltmp0, $4  }
0x23: {  	_ = 	snop  }
0x24: {  	s15 =	sadd.s32 $0x200, s15  }
0x25: {  	_ =	swait.ge [sflag:s10], $0x4000  }
0x26: {  	[sflag:s10] =	ssyncset.done $0x0  }
0x27: {  	s14 =	sadd.s32 $0x1, s14  }
0x28: {  	[sflag:s10] =	ssyncadd.s32 $0xFFFFC000;
	p0 =	sne.s32 s14, s8  }
.Ltmp1:
0x29: {  	[bflag:$0x0] =	sbarrier.arrive $0xFFFF;
	(pc) =	sbr.rel @p0 .LBB2_1-.Ltmp1, $4  }
0x2a: {  	[hbm:s7], [sflag:s11] =	dma.local [spmem:s12], $0x2800  }
0x2b: {  	_ =	swait.ge [sflag:s10], $0x2800  }
0x2c: {  	[sflag:s10] =	ssyncset.done $0x0  }
0x2d: {  	[sflag:s10] =	ssyncadd.s32 $0xFFFFD800  }
0x2e: {  	_ =	sfence.sel $0x180000  }
0x2f: {  	[bflag:$0x0] =	sbarrier.arrive $0xFFFF  }
0x30: {  	p0 =	sne.s32 s1, $0x0;
	_ =	strace $0x90000047  }
0x31: {  	s0 =	sadd.s32 @!p0 $0x100000, s0;
	[bflag:$0x2] =	sbarrier.arrive $0xFFFF  }
0x32: {  	[sflag:s0] =	ssyncadd.tile.s32 @!p0 $0x1;
	_ =	shalt  }
.Lfunc_end2:
_tile_overlayer_lowered:
.L_overlay_start_2:
0x33: {  	(tag) =	ssettag $0x2  }
0x34: {  	s0 =	rddreg [dreg:$0x0];
	s2 =	stileid.u32  }
0x35: {  	s1 =	rddreg [dreg:$0x1];
	p0 =	sne.s32 s2, $0x0  }
0x36: {  	s3 =	rddreg [dreg:$0x2];
	[bflag:$0x3] =	sbarrier.arrive $0xFFFF;
	s2 =	simm.s32 @!p0 $0x1C01  }
0x37: {  	[timem:s3], [sflag:s2] =	dma.local @!p0 [hbm:s0], s1  }
0x38: {  	s0 =	simm.s32 @!p0 $0x1  }
0x39: {  	_ =	swait.ge @!p0 [sflag:s0], s1  }
0x3a: {  	s1 =	ssub.s32 @!p0 $0x0, s1;
	[sflag:s0] =	ssyncset.done @!p0 $0x0  }
0x3b: {  	[sflag:s0] =	ssyncadd.s32 @!p0 s1  }
0x3c: {  	[bflag:$0x3] =	sbarrier.arrive $0xFFFF  }
0x3d: {  	_ =	shalt  }

// kernel: kernel.15.cloned.1.call-start
scs
__scs_entry_jumppad:
0x0: {  	(pc) =	sbr.rel $0x88, $3  }
0x1: {  	(tag) =	ssettag $0x0;
	lr =	simm.s32 $0x1  }
0x2: {  	[smem:$0x3F97] =	sst lr;
	_ =	strace $0xD0000000  }
0x3: {  	_ = 	snop  }
0x4: {  	_ = 	snop  }
0x5: {  	_ = 	snop  }
0x6: {  	_ = 	snop  }
0x7: {  	_ = 	snop  }
__scs_overlays_trampoline_lowered:
0x8: {  	[smem:$0x3FA6] =	sst s0  }
0x9: {  	[smem:$0x3FA7] =	sst s1  }
0xa: {  	[smem:$0x3FA8] =	sst s2  }
0xb: {  	[smem:$0x3FA9] =	sst s3  }
0xc: {  	[smem:$0x3FAA] =	sst s4  }
0xd: {  	[smem:$0x3FAB] =	sst s5  }
0xe: {  	[smem:$0x3FAC] =	sst s6  }
0xf: {  	[smem:$0x3FAD] =	sst s7  }
0x10: {  	[smem:$0x3FAE] =	sst s8  }
0x11: {  	[smem:$0x3FAF] =	sst s9;
	s0 =	simm.s32 @!p0 $0x0  }
0x12: {  	s1 =	sld [smem:$0x3F95];
	s0 =	simm.s32 @p0 $0x1  }
0x13: {  	[smem:$0x3FB0] =	sst s0;
	s0 =	simm.s32 @!p1 $0x0  }
0x14: {  	s2 =	sld [smem:$0x3F94];
	s0 =	simm.s32 @p1 $0x1  }
0x15: {  	[smem:$0x3FB1] =	sst s0;
	s0 =	simm.s32 @!p2 $0x0  }
0x16: {  	s3 =	sld [smem:$0x3FDB];
	s0 =	simm.s32 @p2 $0x1  }
0x17: {  	s4 =	simm.s32 $0x1BF5;
	[smem:$0x3FB3] =	sst s0  }
0x18: {  	s0 =	sld [smem:$0x3F96];
	_ =	swait.ge [sflag:s4], $0x0  }
0x19: {  	s7 =	sld [smem:$0x3F97]  }
0x1a: {  	s8 =	sadd.s32 $0xFFFFE003, lr  }
0x1b: {  	s9 =	sadd.s32 $0xFFFFFEF7, lr;
	s5 =	simm.s32 $0xFFFFFFFF;
	p2 =	slt.u32 s8, $0xFFFFF086  }
0x1c: {  	p1 =	slt.u32 s9, $0xF7A;
	s5 =	simm.s32 @!p2 $0x0  }
0x1d: {  	s5 =	simm.s32 @p1 $0x1;
	p0 =	seq.s32 s7, s2  }
0x1e: {  	s7 =	smul.u32 @!p0 $0xF7A, s2;
	p2 =	seq.s32 @!p0 s5, $0x0  }
0x1f: {  	s9 =	smul.u32 $0xF7A, s1;
	s8 =	simm.s32 @!p0 $0x1BF5;
	p2 =	por !p2, p0  }
0x20: {  	[sflag:s8] =	ssyncset.s32 @!p0 $0xFFFFF086;
	s6 =	sadd.s32 @!p0 s3, s7;
	s7 =	simm.s32 @!p0 $0x108  }
0x21: {  	s3 =	sadd.s32 s3, s9;
	s6 =	sadd.s32 @!p0 $0x88, s6;
	s7 =	simm.s32 @p2 $0x1082  }
0x22: {  	[simem:s7], [sflag:s8] =	dma.local @!p0 [hbm:s6], $0xF7A  }
0x23: {  	s9 =	sor.u32 $0xD0000000, s2;
	s6 =	simm.s32 $0x108;
	_ =	swait.ge @!p0 [sflag:s8], $0x0  }
0x24: {  	s3 =	sadd.s32 $0x88, s3;
	s6 =	simm.s32 @!p1 $0x1082;
	[sflag:s4] =	ssyncset.s32 $0xFFFFF086  }
0x25: {  	[simem:s6], [sflag:s4] =	dma.local [hbm:s3], $0xF7A  }
0x26: {  	[smem:$0x3F97] =	sst s1;
	(tag) =	ssettag s2;
	_ =	strace s9  }
0x27: {  	s1 =	sld [smem:$0x3FA7]  }
0x28: {  	s2 =	sld [smem:$0x3FA8]  }
0x29: {  	s4 =	sld [smem:$0x3FAA]  }
0x2a: {  	p0 =	seq.s32 s5, $0x0;
	s5 =	sld [smem:$0x3FAB]  }
0x2b: {  	s6 =	sld [smem:$0x3FAC]  }
0x2c: {  	s7 =	sld [smem:$0x3FAD]  }
0x2d: {  	s3 =	simm.s32 $0x108;
	s8 =	sld [smem:$0x3FAE]  }
0x2e: {  	s3 =	simm.s32 @!p0 $0x1082;
	s9 =	sld [smem:$0x3FAF]  }
0x2f: {  	lr =	sadd.s32 s0, s3;
	s0 =	sld [smem:$0x3FA6]  }
0x30: {  	s3 =	sld [smem:$0x3FA9]  }
0x31: {  	[smem:$0x3FB2] =	sst s10  }
0x32: {  	s10 =	sld [smem:$0x3FB0];
	_ =	sdelay $0x3  }
0x33: {  	p0 =	seq.s32 s10, $0x1;
	s10 =	sld [smem:$0x3FB2];
	_ =	sdelay $0x3  }
0x34: {  	[smem:$0x3FB2] =	sst s10  }
0x35: {  	s10 =	sld [smem:$0x3FB1];
	_ =	sdelay $0x3  }
0x36: {  	p1 =	seq.s32 s10, $0x1;
	s10 =	sld [smem:$0x3FB2];
	_ =	sdelay $0x3  }
0x37: {  	[smem:$0x3FB2] =	sst s10  }
0x38: {  	s10 =	sld [smem:$0x3FB3]  }
0x39: {  	_ = 	snop;
	(pc) =	sbr.ind lr, $3  }
0x3a: {  	_ = 	snop  }
0x3b: {  	_ = 	snop  }
0x3c: {  	p2 =	seq.s32 s10, $0x1;
	s10 =	sld [smem:$0x3FB2]  }
0x3d: {  	_ =	shalt  }
0x3e: {  	_ =	shalt  }
0x3f: {  	_ =	shalt  }
0x40: {  	_ =	shalt  }
0x41: {  	_ =	shalt  }
0x42: {  	_ =	shalt  }
0x43: {  	_ =	shalt  }
0x44: {  	_ =	shalt  }
0x45: {  	_ =	shalt  }
0x46: {  	_ =	shalt  }
0x47: {  	_ =	shalt  }
0x48: {  	_ =	shalt  }
0x49: {  	_ =	shalt  }
0x4a: {  	_ =	shalt  }
0x4b: {  	_ =	shalt  }
0x4c: {  	_ =	shalt  }
0x4d: {  	_ =	shalt  }
0x4e: {  	_ =	shalt  }
0x4f: {  	_ =	shalt  }
0x50: {  	_ =	shalt  }
0x51: {  	_ =	shalt  }
0x52: {  	_ =	shalt  }
0x53: {  	_ =	shalt  }
0x54: {  	_ =	shalt  }
0x55: {  	_ =	shalt  }
0x56: {  	_ =	shalt  }
0x57: {  	_ =	shalt  }
0x58: {  	_ =	shalt  }
0x59: {  	_ =	shalt  }
0x5a: {  	_ =	shalt  }
0x5b: {  	_ =	shalt  }
0x5c: {  	_ =	shalt  }
0x5d: {  	_ =	shalt  }
0x5e: {  	_ =	shalt  }
0x5f: {  	_ =	shalt  }
0x60: {  	_ =	shalt  }
0x61: {  	_ =	shalt  }
0x62: {  	_ =	shalt  }
0x63: {  	_ =	shalt  }
0x64: {  	_ =	shalt  }
0x65: {  	_ =	shalt  }
0x66: {  	_ =	shalt  }
0x67: {  	_ =	shalt  }
0x68: {  	_ =	shalt  }
0x69: {  	_ =	shalt  }
0x6a: {  	_ =	shalt  }
0x6b: {  	_ =	shalt  }
0x6c: {  	_ =	shalt  }
0x6d: {  	_ =	shalt  }
0x6e: {  	_ =	shalt  }
0x6f: {  	_ =	shalt  }
0x70: {  	_ =	shalt  }
0x71: {  	_ =	shalt  }
0x72: {  	_ =	shalt  }
0x73: {  	_ =	shalt  }
0x74: {  	_ =	shalt  }
0x75: {  	_ =	shalt  }
0x76: {  	_ =	shalt  }
0x77: {  	_ =	shalt  }
0x78: {  	_ =	shalt  }
0x79: {  	_ =	shalt  }
0x7a: {  	_ =	shalt  }
0x7b: {  	_ =	shalt  }
0x7c: {  	_ =	shalt  }
0x7d: {  	_ =	shalt  }
0x7e: {  	_ =	shalt  }
0x7f: {  	_ =	shalt  }
0x80: {  	_ =	shalt  }
0x81: {  	_ =	shalt  }
0x82: {  	_ =	shalt  }
0x83: {  	_ =	shalt  }
0x84: {  	_ =	shalt  }
0x85: {  	_ =	shalt  }
0x86: {  	_ =	shalt  }
0x87: {  	_ =	shalt  }
.Lfunc_end0:
.L_simem_size_0:
called_computation.1_lowered:
.L_overlay_start_0:
0x88: {  	s2 =	sld [smem:$0x3FD9]  }
0x89: {  	s3 =	sld [smem:$0x3FFE];
	_ =	sdelay $0x1  }
0x8a: {  	s1 =	srdreg.scid  }
0x8b: {  	s0 =	sand.u32 $0x1, s1  }
0x8c: {  	s16 =	sshll.u32 s0, $0xA;
	s2 =	sadd.s32 s3, s2  }
0x8d: {  	s2 =	sadd.s32 s2, s16  }
0x8e: {  	[smem:$0x3FBE] =	sst s2  }
0x8f: {  	_ = 	snop  }
0x90: {  	(tm) =	ssettm $0x1  }
0x91: {  	s17 =	sld [smem:$0x3FFB];
	_ =	sdelay $0x3  }
0x92: {  	_ =	strace s17  }
0x93: {  	s2 =	sld [smem:$0x3FFC];
	_ =	sdelay $0x3  }
0x94: {  	_ =	strace s2  }
0x95: {  	s2 =	sld [smem:$0x3FFD];
	_ =	sdelay $0x3  }
0x96: {  	_ =	strace s2  }
0x97: {  	_ =	strace $0x8FFFFFFF  }
0x98: {  	s18 =	sld [smem:$0x3FDB];
	_ =	sdelay $0x1  }
0x99: {  	s19 =	simm.s32 $_scs_section_size  }
0x9a: {  	s4 =	simm.s32 $_size__tile_overlayer_lowered;
	s5 =	simm.s32 $_tile_overlayer_lowered  }
0x9b: {  	s22 =	simm.s32 $0x1BFF;
	s21 =	sshll.u32 s5, $0x1;
	s2 =	sadd.s32 s19, s18  }
0x9c: {  	s6 =	simm.s32 $0x0;
	s20 =	sshll.u32 s4, $0x1;
	s4 =	sadd.s32 s21, s2  }
0x9d: {  	[timem:s6], [sflag:s22] =	dma.local [hbm:s4], s20  }
0x9e: {  	_ =	swait.ge [sflag:s22], s20  }
0x9f: {  	s3 =	ssub.s32 $0x0, s20;
	[sflag:s22] =	ssyncset.done $0x0  }
0xa0: {  	[sflag:s22] =	ssyncadd.s32 s3;
	_ =	sdelay $0x1  }
0xa1: {  	s23 =	simm.s32 $0x1B8B  }
0xa2: {  	_ =	swait.ge [sflag:s23], $0x1  }
0xa3: {  	[sflag:s23] =	ssyncset.done $0x0  }
0xa4: {  	s25 =	simm.s32 $0x1B8E;
	s24 =	sld [smem:$0x3FFE];
	[sflag:s23] =	ssyncadd.s32 $0xFFFFFFFF  }
0xa5: {  	s26 =	simm.s32 $execute0_lowered;
	[smem:$0x3FD2] =	sst s25  }
0xa6: {  	s4 =	sshll.u32 s26, $0x1;
	_ =	strace $0x80000049;
	[dreg:$0x1] =	wrdreg $0xFFFFFFFF  }
0xa7: {  	s28 =	simm.s32 $_size_execute0_lowered;
	s2 =	sadd.s32 s2, s4;
	[dreg:$0x0] =	wrdreg $0x0  }
0xa8: {  	s4 =	sshll.u32 s28, $0x1;
	[dreg:$0x2] =	wrdreg s2  }
0xa9: {  	[dreg:$0x3] =	wrdreg s4  }
0xaa: {  	[dreg:$0x4] =	wrdreg $0xC0  }
0xab: {  	_ =	task [dreg:s6], $0x5FFFF  }
0xac: {  	[dreg:$0x1] =	wrdreg $0xFFFFFFFF  }
0xad: {  	[dreg:$0x0] =	wrdreg $0x60  }
0xae: {  	[dreg:$0x2] =	wrdreg s24  }
0xaf: {  	[dreg:$0x3] =	wrdreg $0x90000  }
0xb0: {  	[dreg:$0x4] =	wrdreg $0x9  }
0xb1: {  	_ =	task.clear_ibuf [dreg:s6], $0x5FFFF;
	_ =	strace $0x90000049  }
0xb2: {  	s29 =	simm.s32 $0x9;
	_ =	strace $0x8000004B  }
0xb3: {  	_ =	swait.ge [sflag:s29], $0x1  }
0xb4: {  	[sflag:s29] =	ssyncadd.s32 $0xFFFFFFFF  }
0xb5: {  	_ =	strace $0x9000004B  }
0xb6: {  	_ =	sfence  }
0xb7: {  	s30 =	sld [smem:$0x0];
	_ =	sdelay $0x2  }
0xb8: {  	s31 =	sshll.u32 s1, $0xD;
	s1 =	sshrl.u32 s1, $0x2  }
0xb9: {  	s3 =	sand.u32 $0x4000, s31;
	s1 =	sadd.s32 s1, s30  }
0xba: {  	s0 =	sor.u32 s3, s0;
	s1 =	sshll.u32 s1, $0x11  }
0xbb: {  	s0 =	sor.u32 s1, s0  }
0xbc: {  	s0 =	sadd.s32 $0x8F2B, s0  }
0xbd: {  	[sflag:s0] =	ssyncadd.remote.s32 $0x1  }
0xbe: {  	_ =	sfence.sel $0xFFFF  }
0xbf: {  	[dreg:$0x0] =	wrdreg $0xFFFFFFFF;
	(pc) =	sbr.abs _section_cstart, $3  }
0xc0: {  	[dreg:$0x1] =	wrdreg $0xFFFFFFFF  }
0xc1: {  	_ =	task.clear_ibuf [dreg:s6], $0x2FFFF;
	_ =	strace $0x9FFFFFFF  }
0xc2: {  	(tm) =	ssettm $0x7FFFFFFF  }
0xc3: {  	_ =	shalt  }
tec
execute0_lowered:
.L_overlay_start_1:
0x0: {  	(tag) =	ssettag $0x1  }
0x1: {  	s5 =	rddreg [dreg:$0x0]  }
0x2: {  	s2 =	rddreg [dreg:$0x1]  }
0x3: {  	s0 =	rddreg [dreg:$0x2];
	s3 =	simm.s32 $0x0  }
0x4: {  	s1 =	stileid.u32;
	s6 =	srdreg.scid;
	s17 =	simm.s32 $0x80  }
0x5: {  	s18 =	simm.s32 $0x5000;
	s19 =	simm.s32 $0x1;
	s7 =	smul.u32 $0x2800, s1  }
0x6: {  	[smem:$0x7FF] =	sst s3;
	s4 =	sadd.s32 $0x93E00, s5;
	s13 =	smul.u32 $0x280, s1  }
0x7: {  	s9 =	sadd.s32 $0x7FE00, s5;
	s6 =	sand.u32 $0x1, s6;
	s22 =	smul.u32 $0x50000, s1  }
0x8: {  	s12 =	sadd.s32 $0x133E00, s5;
	s31 =	sshll.u32 s1, $0x6;
	s11 =	smul.u32 $0x50000, s6  }
0x9: {  	_ =	strace $0x8000004A;
	s15 =	smul.u32 $0x5000, s6;
	s16 =	sshllo.u32 s6, $0x1  }
0xa: {  	s10 =	ssub.s32 $0x2, s6;
	s8 =	sshrl.u32 s7, $0x3;
	s23 =	smul.u32 $0x28000, s16  }
0xb: {  	s20 =	sshrl.u32 s10, $0x1;
	s25 =	smul.u32 $0x2800, s16;
	s8 =	sadd.s32 s8, s5  }
0xc: {  	s14 =	ssub.s32 s10, s20;
	s21 =	sadd.s32 s7, s11;
	s10 =	sshrl.u32 s22, $0x2  }
0xd: {  	s24 =	sadd.s32 s13, s15;
	s15 =	sor.u32 $0x1C02, s31;
	s20 =	simm.s32 $0x0  }
0xe: {  	s11 =	sshrl.u32 s21, $0x3;
	s5 =	sadd.s32 $0x7AE00, s8;
	s26 =	sadd.s32 s10, s2  }
0xf: {  	s28 =	sshll.u32 s24, $0x4;
	s8 =	sadd.s32 s7, s23;
	s13 =	sadd.s32 s13, s25  }
0x10: {  	s6 =	sadd.s32 s9, s11;
	s7 =	sadd.s32 s4, s28;
	s29 =	sshrl.u32 s8, $0x3  }
0x11: {  	s8 =	sadd.s32 s12, s28;
	s30 =	sshll.u32 s13, $0x4;
	s13 =	simm.s32 $0x2800  }
0x12: {  	s16 =	sshrl.u32 s26, $0x3;
	s9 =	sadd.s32 s9, s29;
	s10 =	sadd.s32 s4, s30  }
0x13: {  	s11 =	sadd.s32 s12, s30;
	s12 =	smax.u32 s14, $0x1;
	s14 =	simm.s32 $0x2  }
.LBB2_1:
0x14: {  	[tilespmem:s13], [sflag:$0x2] =	stream.linear.gather [hbm4b:s5+s3], $0x2780, $0x38;
	[tilespmem:$0x1D000] =	vst v63  }
0x15: {  	_ =	swait.ge [sflag:s14], $0x2780  }
0x16: {  	[sflag:s14] =	ssyncset.done $0x0  }
0x17: {  	[sflag:s14] =	ssyncadd.s32 $0xFFFFD880  }
0x18: {  	[tilespmem:s3], [sflag:$0x2] =	stream.linear.gather [hbm4b:s6+s3], $0x2780, $0x38;
	[tilespmem:$0x1D000] =	vst v63  }
0x19: {  	_ =	swait.ge [sflag:s14], $0x2780  }
0x1a: {  	[sflag:s14] =	ssyncset.done $0x0  }
0x1b: {  	[sflag:s14] =	ssyncadd.s32 $0xFFFFD880  }
0x1c: {  	[spmem:s16], [sflag:s15] =	dma.local [hbm:s7], $0x2800  }
0x1d: {  	_ =	swait.ge [sflag:s14], $0x2800  }
0x1e: {  	[sflag:s14] =	ssyncset.done $0x0  }
0x1f: {  	[sflag:s14] =	ssyncadd.s32 $0xFFFFD800  }
0x20: {  	s21 =	simm.s32 $0x0;
	[bflag:$0x0] =	sbarrier.arrive $0xFFFF  }
0x21: {  	[tilespmem:s18], [sflag:$0x1] =	stream.indirect.gather [hbm4b:s4+s17], $0x80, s21, s17, $0xb8;
	[tilespmem:$0x1D000] =	vst v63  }
0x22: {  	_ =	swait.ge [sflag:s19], $0x4000  }
0x23: {  	[sflag:s19] =	ssyncset.done $0x0  }
0x24: {  	s31 =	simm.s32 $0x2800;
	[sflag:s19] =	ssyncadd.s32 $0xFFFFC000  }
0x25: {  	[spmem:s2] =	stream.indirect.scatter.add.f32 [tilespmem:s18], [sflag:$0x2], $0x80, s31, s17, $0xb8;
	[tilespmem:$0x1D000] =	vst v63  }
0x26: {  	_ =	swait.ge [sflag:s14], $0x4000  }
0x27: {  	s22 =	simm.s32 $0x400;
	s21 =	simm.s32 $0x200;
	[sflag:s14] =	ssyncset.done $0x0  }
.LBB2_2:
0x28: {  	s23 =	sshra.s32 s21, $0x2  }
0x29: {  	[sflag:s14] =	ssyncadd.s32 $0xFFFFC000;
	s21 =	smov.u32 s22;
	s24 =	sadd.s32 $0x200, s22  }
0x2a: {  	[tilespmem:s18], [sflag:$0x1] =	stream.indirect.gather [hbm4b:s4+s17], $0x80, s23, s17, $0xb8;
	[tilespmem:$0x1D000] =	vst v63  }
0x2b: {  	p0 =	sne.s32 s22, $0x9C00;
	_ =	swait.ge [sflag:s19], $0x4000  }
.Ltmp0:
0x2c: {  	[sflag:s19] =	ssyncset.done $0x0;
	(pc) =	sbr.rel @p0 .LBB2_2-.Ltmp0, $4  }
0x2d: {  	s22 =	sadd.s32 $0x2800, s23;
	[sflag:s19] =	ssyncadd.s32 $0xFFFFC000  }
0x2e: {  	[spmem:s2] =	stream.indirect.scatter.add.f32 [tilespmem:s18], [sflag:$0x2], $0x80, s22, s17, $0xb8;
	[tilespmem:$0x1D000] =	vst v63  }
0x2f: {  	_ =	swait.ge [sflag:s14], $0x4000  }
0x30: {  	s22 =	smov.u32 s24;
	[sflag:s14] =	ssyncset.done $0x0  }
0x31: {  	s21 =	sshra.s32 s21, $0x2;
	[sflag:s14] =	ssyncadd.s32 $0xFFFFC000  }
0x32: {  	[tilespmem:s18], [sflag:$0x1] =	stream.indirect.gather [hbm4b:s4+s17], $0x80, s21, s17, $0xb8;
	[tilespmem:$0x1D000] =	vst v63  }
0x33: {  	_ =	swait.ge [sflag:s19], $0x4000  }
0x34: {  	[sflag:s19] =	ssyncset.done $0x0  }
0x35: {  	s21 =	sadd.s32 $0x2800, s21;
	[sflag:s19] =	ssyncadd.s32 $0xFFFFC000  }
0x36: {  	[spmem:s2] =	stream.indirect.scatter.add.f32 [tilespmem:s18], [sflag:$0x2], $0x80, s21, s17, $0xb8;
	[tilespmem:$0x1D000] =	vst v63  }
0x37: {  	_ =	swait.ge [sflag:s14], $0x4000  }
0x38: {  	[sflag:s14] =	ssyncset.done $0x0  }
0x39: {  	[sflag:s14] =	ssyncadd.s32 $0xFFFFC000  }
0x3a: {  	[bflag:$0x0] =	sbarrier.arrive $0xFFFF  }
0x3b: {  	[hbm:s8], [sflag:s15] =	dma.local [spmem:s16], $0x2800  }
0x3c: {  	_ =	swait.ge [sflag:s14], $0x2800  }
0x3d: {  	[sflag:s14] =	ssyncset.done $0x0  }
0x3e: {  	s29 =	simm.s32 $0x0;
	[sflag:s14] =	ssyncadd.s32 $0xFFFFD800  }
0x3f: {  	[tilespmem:s29], [sflag:$0x2] =	stream.linear.gather [hbm4b:s9+s29], $0x2780, $0x38;
	[tilespmem:$0x1D000] =	vst v63  }
0x40: {  	_ =	swait.ge [sflag:s14], $0x2780  }
0x41: {  	[sflag:s14] =	ssyncset.done $0x0  }
0x42: {  	[sflag:s14] =	ssyncadd.s32 $0xFFFFD880  }
0x43: {  	[spmem:s16], [sflag:s15] =	dma.local [hbm:s10], $0x2800  }
0x44: {  	_ =	swait.ge [sflag:s14], $0x2800  }
0x45: {  	[sflag:s14] =	ssyncset.done $0x0  }
0x46: {  	[sflag:s14] =	ssyncadd.s32 $0xFFFFD800  }
0x47: {  	s30 =	simm.s32 $0x0;
	[bflag:$0x0] =	sbarrier.arrive $0xFFFF  }
0x48: {  	[tilespmem:s18], [sflag:$0x1] =	stream.indirect.gather [hbm4b:s4+s17], $0x80, s30, s17, $0xb8;
	[tilespmem:$0x1D000] =	vst v63  }
0x49: {  	_ =	swait.ge [sflag:s19], $0x4000  }
0x4a: {  	[sflag:s19] =	ssyncset.done $0x0  }
0x4b: {  	s31 =	simm.s32 $0x2800;
	[sflag:s19] =	ssyncadd.s32 $0xFFFFC000  }
0x4c: {  	[spmem:s2] =	stream.indirect.scatter.add.f32 [tilespmem:s18], [sflag:$0x2], $0x80, s31, s17, $0xb8;
	[tilespmem:$0x1D000] =	vst v63  }
0x4d: {  	_ =	swait.ge [sflag:s14], $0x4000  }
0x4e: {  	s22 =	simm.s32 $0x400;
	s21 =	simm.s32 $0x200;
	[sflag:s14] =	ssyncset.done $0x0  }
.LBB2_4:
0x4f: {  	s23 =	sshra.s32 s21, $0x2  }
0x50: {  	[sflag:s14] =	ssyncadd.s32 $0xFFFFC000;
	s21 =	smov.u32 s22;
	s24 =	sadd.s32 $0x200, s22  }
0x51: {  	[tilespmem:s18], [sflag:$0x1] =	stream.indirect.gather [hbm4b:s4+s17], $0x80, s23, s17, $0xb8;
	[tilespmem:$0x1D000] =	vst v63  }
0x52: {  	p0 =	sne.s32 s22, $0x9C00;
	_ =	swait.ge [sflag:s19], $0x4000  }
.Ltmp1:
0x53: {  	[sflag:s19] =	ssyncset.done $0x0;
	(pc) =	sbr.rel @p0 .LBB2_4-.Ltmp1, $4  }
0x54: {  	s22 =	sadd.s32 $0x2800, s23;
	[sflag:s19] =	ssyncadd.s32 $0xFFFFC000  }
0x55: {  	[spmem:s2] =	stream.indirect.scatter.add.f32 [tilespmem:s18], [sflag:$0x2], $0x80, s22, s17, $0xb8;
	[tilespmem:$0x1D000] =	vst v63  }
0x56: {  	_ =	swait.ge [sflag:s14], $0x4000  }
0x57: {  	s22 =	smov.u32 s24;
	[sflag:s14] =	ssyncset.done $0x0  }
0x58: {  	s21 =	sshra.s32 s21, $0x2;
	[sflag:s14] =	ssyncadd.s32 $0xFFFFC000  }
0x59: {  	[tilespmem:s18], [sflag:$0x1] =	stream.indirect.gather [hbm4b:s4+s17], $0x80, s21, s17, $0xb8;
	[tilespmem:$0x1D000] =	vst v63  }
0x5a: {  	_ =	swait.ge [sflag:s19], $0x4000  }
0x5b: {  	[sflag:s19] =	ssyncset.done $0x0  }
0x5c: {  	s21 =	sadd.s32 $0x2800, s21;
	[sflag:s19] =	ssyncadd.s32 $0xFFFFC000  }
0x5d: {  	[spmem:s2] =	stream.indirect.scatter.add.f32 [tilespmem:s18], [sflag:$0x2], $0x80, s21, s17, $0xb8;
	[tilespmem:$0x1D000] =	vst v63  }
0x5e: {  	_ =	swait.ge [sflag:s14], $0x4000  }
0x5f: {  	s20 =	sadd.s32 $0x1, s20;
	[sflag:s14] =	ssyncset.done $0x0  }
0x60: {  	p0 =	sne.s32 s20, s12;
	[sflag:s14] =	ssyncadd.s32 $0xFFFFC000  }
.Ltmp2:
0x61: {  	[bflag:$0x0] =	sbarrier.arrive $0xFFFF;
	(pc) =	sbr.rel @p0 .LBB2_1-.Ltmp2, $4  }
0x62: {  	[hbm:s11], [sflag:s15] =	dma.local [spmem:s16], $0x2800  }
0x63: {  	_ =	swait.ge [sflag:s14], $0x2800  }
0x64: {  	[sflag:s14] =	ssyncset.done $0x0  }
0x65: {  	[sflag:s14] =	ssyncadd.s32 $0xFFFFD800  }
0x66: {  	_ =	sfence.sel $0x180000  }
0x67: {  	[bflag:$0x0] =	sbarrier.arrive $0xFFFF  }
0x68: {  	p0 =	sne.s32 s1, $0x0;
	_ =	strace $0x9000004A  }
0x69: {  	s0 =	sadd.s32 @!p0 $0x100000, s0;
	[bflag:$0x2] =	sbarrier.arrive $0xFFFF  }
0x6a: {  	[sflag:s0] =	ssyncadd.tile.s32 @!p0 $0x1;
	_ =	shalt  }
.Lfunc_end2:
_tile_overlayer_lowered:
.L_overlay_start_2:
0x6b: {  	(tag) =	ssettag $0x2  }
0x6c: {  	s0 =	rddreg [dreg:$0x0];
	s2 =	stileid.u32  }
0x6d: {  	s1 =	rddreg [dreg:$0x1];
	p0 =	sne.s32 s2, $0x0  }
0x6e: {  	s3 =	rddreg [dreg:$0x2];
	[bflag:$0x3] =	sbarrier.arrive $0xFFFF;
	s2 =	simm.s32 @!p0 $0x1C02  }
0x6f: {  	[timem:s3], [sflag:s2] =	dma.local @!p0 [hbm:s0], s1  }
0x70: {  	s0 =	simm.s32 @!p0 $0x2  }
0x71: {  	_ =	swait.ge @!p0 [sflag:s0], s1  }
0x72: {  	s1 =	ssub.s32 @!p0 $0x0, s1;
	[sflag:s0] =	ssyncset.done @!p0 $0x0  }
0x73: {  	[sflag:s0] =	ssyncadd.s32 @!p0 s1  }
0x74: {  	[bflag:$0x3] =	sbarrier.arrive $0xFFFF  }
0x75: {  	_ =	shalt  }

// kernel: kernel.18.cloned.1.call-start
scs
__scs_entry_jumppad:
0x0: {  	(pc) =	sbr.rel $0x88, $3  }
0x1: {  	(tag) =	ssettag $0x0;
	lr =	simm.s32 $0x1  }
0x2: {  	[smem:$0x3F97] =	sst lr;
	_ =	strace $0xD0000000  }
0x3: {  	_ = 	snop  }
0x4: {  	_ = 	snop  }
0x5: {  	_ = 	snop  }
0x6: {  	_ = 	snop  }
0x7: {  	_ = 	snop  }
__scs_overlays_trampoline_lowered:
0x8: {  	[smem:$0x3FA6] =	sst s0  }
0x9: {  	[smem:$0x3FA7] =	sst s1  }
0xa: {  	[smem:$0x3FA8] =	sst s2  }
0xb: {  	[smem:$0x3FA9] =	sst s3  }
0xc: {  	[smem:$0x3FAA] =	sst s4  }
0xd: {  	[smem:$0x3FAB] =	sst s5  }
0xe: {  	[smem:$0x3FAC] =	sst s6  }
0xf: {  	[smem:$0x3FAD] =	sst s7  }
0x10: {  	[smem:$0x3FAE] =	sst s8  }
0x11: {  	[smem:$0x3FAF] =	sst s9;
	s0 =	simm.s32 @!p0 $0x0  }
0x12: {  	s1 =	sld [smem:$0x3F95];
	s0 =	simm.s32 @p0 $0x1  }
0x13: {  	[smem:$0x3FB0] =	sst s0;
	s0 =	simm.s32 @!p1 $0x0  }
0x14: {  	s2 =	sld [smem:$0x3F94];
	s0 =	simm.s32 @p1 $0x1  }
0x15: {  	[smem:$0x3FB1] =	sst s0;
	s0 =	simm.s32 @!p2 $0x0  }
0x16: {  	s3 =	sld [smem:$0x3FDB];
	s0 =	simm.s32 @p2 $0x1  }
0x17: {  	s4 =	simm.s32 $0x1BF5;
	[smem:$0x3FB3] =	sst s0  }
0x18: {  	s0 =	sld [smem:$0x3F96];
	_ =	swait.ge [sflag:s4], $0x0  }
0x19: {  	s7 =	sld [smem:$0x3F97]  }
0x1a: {  	s8 =	sadd.s32 $0xFFFFE003, lr  }
0x1b: {  	s9 =	sadd.s32 $0xFFFFFEF7, lr;
	s5 =	simm.s32 $0xFFFFFFFF;
	p2 =	slt.u32 s8, $0xFFFFF086  }
0x1c: {  	p1 =	slt.u32 s9, $0xF7A;
	s5 =	simm.s32 @!p2 $0x0  }
0x1d: {  	s5 =	simm.s32 @p1 $0x1;
	p0 =	seq.s32 s7, s2  }
0x1e: {  	s7 =	smul.u32 @!p0 $0xF7A, s2;
	p2 =	seq.s32 @!p0 s5, $0x0  }
0x1f: {  	s9 =	smul.u32 $0xF7A, s1;
	s8 =	simm.s32 @!p0 $0x1BF5;
	p2 =	por !p2, p0  }
0x20: {  	[sflag:s8] =	ssyncset.s32 @!p0 $0xFFFFF086;
	s6 =	sadd.s32 @!p0 s3, s7;
	s7 =	simm.s32 @!p0 $0x108  }
0x21: {  	s3 =	sadd.s32 s3, s9;
	s6 =	sadd.s32 @!p0 $0x88, s6;
	s7 =	simm.s32 @p2 $0x1082  }
0x22: {  	[simem:s7], [sflag:s8] =	dma.local @!p0 [hbm:s6], $0xF7A  }
0x23: {  	s9 =	sor.u32 $0xD0000000, s2;
	s6 =	simm.s32 $0x108;
	_ =	swait.ge @!p0 [sflag:s8], $0x0  }
0x24: {  	s3 =	sadd.s32 $0x88, s3;
	s6 =	simm.s32 @!p1 $0x1082;
	[sflag:s4] =	ssyncset.s32 $0xFFFFF086  }
0x25: {  	[simem:s6], [sflag:s4] =	dma.local [hbm:s3], $0xF7A  }
0x26: {  	[smem:$0x3F97] =	sst s1;
	(tag) =	ssettag s2;
	_ =	strace s9  }
0x27: {  	s1 =	sld [smem:$0x3FA7]  }
0x28: {  	s2 =	sld [smem:$0x3FA8]  }
0x29: {  	s4 =	sld [smem:$0x3FAA]  }
0x2a: {  	p0 =	seq.s32 s5, $0x0;
	s5 =	sld [smem:$0x3FAB]  }
0x2b: {  	s6 =	sld [smem:$0x3FAC]  }
0x2c: {  	s7 =	sld [smem:$0x3FAD]  }
0x2d: {  	s3 =	simm.s32 $0x108;
	s8 =	sld [smem:$0x3FAE]  }
0x2e: {  	s3 =	simm.s32 @!p0 $0x1082;
	s9 =	sld [smem:$0x3FAF]  }
0x2f: {  	lr =	sadd.s32 s0, s3;
	s0 =	sld [smem:$0x3FA6]  }
0x30: {  	s3 =	sld [smem:$0x3FA9]  }
0x31: {  	[smem:$0x3FB2] =	sst s10  }
0x32: {  	s10 =	sld [smem:$0x3FB0];
	_ =	sdelay $0x3  }
0x33: {  	p0 =	seq.s32 s10, $0x1;
	s10 =	sld [smem:$0x3FB2];
	_ =	sdelay $0x3  }
0x34: {  	[smem:$0x3FB2] =	sst s10  }
0x35: {  	s10 =	sld [smem:$0x3FB1];
	_ =	sdelay $0x3  }
0x36: {  	p1 =	seq.s32 s10, $0x1;
	s10 =	sld [smem:$0x3FB2];
	_ =	sdelay $0x3  }
0x37: {  	[smem:$0x3FB2] =	sst s10  }
0x38: {  	s10 =	sld [smem:$0x3FB3]  }
0x39: {  	_ = 	snop;
	(pc) =	sbr.ind lr, $3  }
0x3a: {  	_ = 	snop  }
0x3b: {  	_ = 	snop  }
0x3c: {  	p2 =	seq.s32 s10, $0x1;
	s10 =	sld [smem:$0x3FB2]  }
0x3d: {  	_ =	shalt  }
0x3e: {  	_ =	shalt  }
0x3f: {  	_ =	shalt  }
0x40: {  	_ =	shalt  }
0x41: {  	_ =	shalt  }
0x42: {  	_ =	shalt  }
0x43: {  	_ =	shalt  }
0x44: {  	_ =	shalt  }
0x45: {  	_ =	shalt  }
0x46: {  	_ =	shalt  }
0x47: {  	_ =	shalt  }
0x48: {  	_ =	shalt  }
0x49: {  	_ =	shalt  }
0x4a: {  	_ =	shalt  }
0x4b: {  	_ =	shalt  }
0x4c: {  	_ =	shalt  }
0x4d: {  	_ =	shalt  }
0x4e: {  	_ =	shalt  }
0x4f: {  	_ =	shalt  }
0x50: {  	_ =	shalt  }
0x51: {  	_ =	shalt  }
0x52: {  	_ =	shalt  }
0x53: {  	_ =	shalt  }
0x54: {  	_ =	shalt  }
0x55: {  	_ =	shalt  }
0x56: {  	_ =	shalt  }
0x57: {  	_ =	shalt  }
0x58: {  	_ =	shalt  }
0x59: {  	_ =	shalt  }
0x5a: {  	_ =	shalt  }
0x5b: {  	_ =	shalt  }
0x5c: {  	_ =	shalt  }
0x5d: {  	_ =	shalt  }
0x5e: {  	_ =	shalt  }
0x5f: {  	_ =	shalt  }
0x60: {  	_ =	shalt  }
0x61: {  	_ =	shalt  }
0x62: {  	_ =	shalt  }
0x63: {  	_ =	shalt  }
0x64: {  	_ =	shalt  }
0x65: {  	_ =	shalt  }
0x66: {  	_ =	shalt  }
0x67: {  	_ =	shalt  }
0x68: {  	_ =	shalt  }
0x69: {  	_ =	shalt  }
0x6a: {  	_ =	shalt  }
0x6b: {  	_ =	shalt  }
0x6c: {  	_ =	shalt  }
0x6d: {  	_ =	shalt  }
0x6e: {  	_ =	shalt  }
0x6f: {  	_ =	shalt  }
0x70: {  	_ =	shalt  }
0x71: {  	_ =	shalt  }
0x72: {  	_ =	shalt  }
0x73: {  	_ =	shalt  }
0x74: {  	_ =	shalt  }
0x75: {  	_ =	shalt  }
0x76: {  	_ =	shalt  }
0x77: {  	_ =	shalt  }
0x78: {  	_ =	shalt  }
0x79: {  	_ =	shalt  }
0x7a: {  	_ =	shalt  }
0x7b: {  	_ =	shalt  }
0x7c: {  	_ =	shalt  }
0x7d: {  	_ =	shalt  }
0x7e: {  	_ =	shalt  }
0x7f: {  	_ =	shalt  }
0x80: {  	_ =	shalt  }
0x81: {  	_ =	shalt  }
0x82: {  	_ =	shalt  }
0x83: {  	_ =	shalt  }
0x84: {  	_ =	shalt  }
0x85: {  	_ =	shalt  }
0x86: {  	_ =	shalt  }
0x87: {  	_ =	shalt  }
.Lfunc_end0:
.L_simem_size_0:
called_computation.2_lowered:
.L_overlay_start_0:
0x88: {  	s2 =	sld [smem:$0x3FD9]  }
0x89: {  	s3 =	sld [smem:$0x3FFE];
	_ =	sdelay $0x1  }
0x8a: {  	s1 =	srdreg.scid  }
0x8b: {  	s0 =	sand.u32 $0x1, s1  }
0x8c: {  	s16 =	sshll.u32 s0, $0xA;
	s2 =	sadd.s32 s3, s2  }
0x8d: {  	s2 =	sadd.s32 s2, s16  }
0x8e: {  	[smem:$0x3FBE] =	sst s2  }
0x8f: {  	_ = 	snop  }
0x90: {  	(tm) =	ssettm $0x1  }
0x91: {  	s17 =	sld [smem:$0x3FFB];
	_ =	sdelay $0x3  }
0x92: {  	_ =	strace s17  }
0x93: {  	s2 =	sld [smem:$0x3FFC];
	_ =	sdelay $0x3  }
0x94: {  	_ =	strace s2  }
0x95: {  	s2 =	sld [smem:$0x3FFD];
	_ =	sdelay $0x3  }
0x96: {  	_ =	strace s2  }
0x97: {  	_ =	strace $0x8FFFFFFF  }
0x98: {  	s18 =	sld [smem:$0x3FDB];
	_ =	sdelay $0x1  }
0x99: {  	s19 =	simm.s32 $_scs_section_size  }
0x9a: {  	s4 =	simm.s32 $_size__tile_overlayer_lowered;
	s5 =	simm.s32 $_tile_overlayer_lowered  }
0x9b: {  	s22 =	simm.s32 $0x1BFF;
	s21 =	sshll.u32 s5, $0x1;
	s2 =	sadd.s32 s19, s18  }
0x9c: {  	s6 =	simm.s32 $0x0;
	s20 =	sshll.u32 s4, $0x1;
	s4 =	sadd.s32 s21, s2  }
0x9d: {  	[timem:s6], [sflag:s22] =	dma.local [hbm:s4], s20  }
0x9e: {  	_ =	swait.ge [sflag:s22], s20  }
0x9f: {  	s3 =	ssub.s32 $0x0, s20;
	[sflag:s22] =	ssyncset.done $0x0  }
0xa0: {  	[sflag:s22] =	ssyncadd.s32 s3;
	_ =	sdelay $0x1  }
0xa1: {  	s23 =	simm.s32 $0x1B8B  }
0xa2: {  	_ =	swait.ge [sflag:s23], $0x1  }
0xa3: {  	[sflag:s23] =	ssyncset.done $0x0  }
0xa4: {  	s25 =	simm.s32 $0x1B8E;
	s24 =	sld [smem:$0x3FFE];
	[sflag:s23] =	ssyncadd.s32 $0xFFFFFFFF  }
0xa5: {  	s26 =	simm.s32 $execute0_lowered;
	[smem:$0x3FD2] =	sst s25  }
0xa6: {  	s4 =	sshll.u32 s26, $0x1;
	_ =	strace $0x8000004C;
	[dreg:$0x1] =	wrdreg $0xFFFFFFFF  }
0xa7: {  	s28 =	simm.s32 $_size_execute0_lowered;
	s2 =	sadd.s32 s2, s4;
	[dreg:$0x0] =	wrdreg $0x0  }
0xa8: {  	s4 =	sshll.u32 s28, $0x1;
	[dreg:$0x2] =	wrdreg s2  }
0xa9: {  	[dreg:$0x3] =	wrdreg s4  }
0xaa: {  	[dreg:$0x4] =	wrdreg $0xC0  }
0xab: {  	_ =	task [dreg:s6], $0x5FFFF  }
0xac: {  	[dreg:$0x1] =	wrdreg $0xFFFFFFFF  }
0xad: {  	[dreg:$0x0] =	wrdreg $0x60  }
0xae: {  	[dreg:$0x2] =	wrdreg s24  }
0xaf: {  	[dreg:$0x3] =	wrdreg $0x90000  }
0xb0: {  	[dreg:$0x4] =	wrdreg $0x9  }
0xb1: {  	_ =	task.clear_ibuf [dreg:s6], $0x5FFFF;
	_ =	strace $0x9000004C  }
0xb2: {  	s29 =	simm.s32 $0x9;
	_ =	strace $0x8000004E  }
0xb3: {  	_ =	swait.ge [sflag:s29], $0x1  }
0xb4: {  	[sflag:s29] =	ssyncadd.s32 $0xFFFFFFFF  }
0xb5: {  	_ =	strace $0x9000004E  }
0xb6: {  	_ =	sfence  }
0xb7: {  	s30 =	sld [smem:$0x0];
	_ =	sdelay $0x2  }
0xb8: {  	s31 =	sshll.u32 s1, $0xD;
	s1 =	sshrl.u32 s1, $0x2  }
0xb9: {  	s3 =	sand.u32 $0x4000, s31;
	s1 =	sadd.s32 s1, s30  }
0xba: {  	s0 =	sor.u32 s3, s0;
	s1 =	sshll.u32 s1, $0x11  }
0xbb: {  	s0 =	sor.u32 s1, s0  }
0xbc: {  	s0 =	sadd.s32 $0x8F2B, s0  }
0xbd: {  	[sflag:s0] =	ssyncadd.remote.s32 $0x1  }
0xbe: {  	_ =	sfence.sel $0xFFFF  }
0xbf: {  	[dreg:$0x0] =	wrdreg $0xFFFFFFFF;
	(pc) =	sbr.abs _section_cstart, $3  }
0xc0: {  	[dreg:$0x1] =	wrdreg $0xFFFFFFFF  }
0xc1: {  	_ =	task.clear_ibuf [dreg:s6], $0x2FFFF;
	_ =	strace $0x9FFFFFFF  }
0xc2: {  	(tm) =	ssettm $0x7FFFFFFF  }
0xc3: {  	_ =	shalt  }
tec
execute0_lowered:
.L_overlay_start_1:
0x0: {  	(tag) =	ssettag $0x1  }
0x1: {  	s5 =	rddreg [dreg:$0x0]  }
0x2: {  	s2 =	rddreg [dreg:$0x1]  }
0x3: {  	s0 =	rddreg [dreg:$0x2];
	s3 =	simm.s32 $0x0  }
0x4: {  	s1 =	stileid.u32;
	s6 =	srdreg.scid;
	s17 =	simm.s32 $0x80  }
0x5: {  	s18 =	simm.s32 $0x5000;
	s19 =	simm.s32 $0x1;
	s7 =	smul.u32 $0x2800, s1  }
0x6: {  	[smem:$0x7FF] =	sst s3;
	s4 =	sadd.s32 $0x93E00, s5;
	s13 =	smul.u32 $0x280, s1  }
0x7: {  	s9 =	sadd.s32 $0x7FE00, s5;
	s6 =	sand.u32 $0x1, s6;
	s22 =	smul.u32 $0x50000, s1  }
0x8: {  	s12 =	sadd.s32 $0x133E00, s5;
	s31 =	sshll.u32 s1, $0x6;
	s11 =	smul.u32 $0x50000, s6  }
0x9: {  	_ =	strace $0x8000004D;
	s15 =	smul.u32 $0x5000, s6;
	s16 =	sshllo.u32 s6, $0x1  }
0xa: {  	s10 =	ssub.s32 $0x2, s6;
	s8 =	sshrl.u32 s7, $0x3;
	s23 =	smul.u32 $0x28000, s16  }
0xb: {  	s20 =	sshrl.u32 s10, $0x1;
	s25 =	smul.u32 $0x2800, s16;
	s8 =	sadd.s32 s8, s5  }
0xc: {  	s14 =	ssub.s32 s10, s20;
	s21 =	sadd.s32 s7, s11;
	s10 =	sshrl.u32 s22, $0x2  }
0xd: {  	s24 =	sadd.s32 s13, s15;
	s15 =	sor.u32 $0x1C02, s31;
	s20 =	simm.s32 $0x0  }
0xe: {  	s11 =	sshrl.u32 s21, $0x3;
	s5 =	sadd.s32 $0x7AE00, s8;
	s26 =	sadd.s32 s10, s2  }
0xf: {  	s28 =	sshll.u32 s24, $0x4;
	s8 =	sadd.s32 s7, s23;
	s13 =	sadd.s32 s13, s25  }
0x10: {  	s6 =	sadd.s32 s9, s11;
	s7 =	sadd.s32 s4, s28;
	s29 =	sshrl.u32 s8, $0x3  }
0x11: {  	s8 =	sadd.s32 s12, s28;
	s30 =	sshll.u32 s13, $0x4;
	s13 =	simm.s32 $0x2800  }
0x12: {  	s16 =	sshrl.u32 s26, $0x3;
	s9 =	sadd.s32 s9, s29;
	s10 =	sadd.s32 s4, s30  }
0x13: {  	s11 =	sadd.s32 s12, s30;
	s12 =	smax.u32 s14, $0x1;
	s14 =	simm.s32 $0x2  }
.LBB2_1:
0x14: {  	[tilespmem:s13], [sflag:$0x2] =	stream.linear.gather [hbm4b:s5+s3], $0x2780, $0x38;
	[tilespmem:$0x1D000] =	vst v63  }
0x15: {  	_ =	swait.ge [sflag:s14], $0x2780  }
0x16: {  	[sflag:s14] =	ssyncset.done $0x0  }
0x17: {  	[sflag:s14] =	ssyncadd.s32 $0xFFFFD880  }
0x18: {  	[tilespmem:s3], [sflag:$0x2] =	stream.linear.gather [hbm4b:s6+s3], $0x2780, $0x38;
	[tilespmem:$0x1D000] =	vst v63  }
0x19: {  	_ =	swait.ge [sflag:s14], $0x2780  }
0x1a: {  	[sflag:s14] =	ssyncset.done $0x0  }
0x1b: {  	[sflag:s14] =	ssyncadd.s32 $0xFFFFD880  }
0x1c: {  	[spmem:s16], [sflag:s15] =	dma.local [hbm:s7], $0x2800  }
0x1d: {  	_ =	swait.ge [sflag:s14], $0x2800  }
0x1e: {  	[sflag:s14] =	ssyncset.done $0x0  }
0x1f: {  	[sflag:s14] =	ssyncadd.s32 $0xFFFFD800  }
0x20: {  	s21 =	simm.s32 $0x0;
	[bflag:$0x0] =	sbarrier.arrive $0xFFFF  }
0x21: {  	[tilespmem:s18], [sflag:$0x1] =	stream.indirect.gather [hbm4b:s4+s17], $0x80, s21, s17, $0xb8;
	[tilespmem:$0x1D000] =	vst v63  }
0x22: {  	_ =	swait.ge [sflag:s19], $0x4000  }
0x23: {  	[sflag:s19] =	ssyncset.done $0x0  }
0x24: {  	s31 =	simm.s32 $0x2800;
	[sflag:s19] =	ssyncadd.s32 $0xFFFFC000  }
0x25: {  	[spmem:s2] =	stream.indirect.scatter.add.f32 [tilespmem:s18], [sflag:$0x2], $0x80, s31, s17, $0xb8;
	[tilespmem:$0x1D000] =	vst v63  }
0x26: {  	_ =	swait.ge [sflag:s14], $0x4000  }
0x27: {  	s22 =	simm.s32 $0x400;
	s21 =	simm.s32 $0x200;
	[sflag:s14] =	ssyncset.done $0x0  }
.LBB2_2:
0x28: {  	s23 =	sshra.s32 s21, $0x2  }
0x29: {  	[sflag:s14] =	ssyncadd.s32 $0xFFFFC000;
	s21 =	smov.u32 s22;
	s24 =	sadd.s32 $0x200, s22  }
0x2a: {  	[tilespmem:s18], [sflag:$0x1] =	stream.indirect.gather [hbm4b:s4+s17], $0x80, s23, s17, $0xb8;
	[tilespmem:$0x1D000] =	vst v63  }
0x2b: {  	p0 =	sne.s32 s22, $0x9C00;
	_ =	swait.ge [sflag:s19], $0x4000  }
.Ltmp0:
0x2c: {  	[sflag:s19] =	ssyncset.done $0x0;
	(pc) =	sbr.rel @p0 .LBB2_2-.Ltmp0, $4  }
0x2d: {  	s22 =	sadd.s32 $0x2800, s23;
	[sflag:s19] =	ssyncadd.s32 $0xFFFFC000  }
0x2e: {  	[spmem:s2] =	stream.indirect.scatter.add.f32 [tilespmem:s18], [sflag:$0x2], $0x80, s22, s17, $0xb8;
	[tilespmem:$0x1D000] =	vst v63  }
0x2f: {  	_ =	swait.ge [sflag:s14], $0x4000  }
0x30: {  	s22 =	smov.u32 s24;
	[sflag:s14] =	ssyncset.done $0x0  }
0x31: {  	s21 =	sshra.s32 s21, $0x2;
	[sflag:s14] =	ssyncadd.s32 $0xFFFFC000  }
0x32: {  	[tilespmem:s18], [sflag:$0x1] =	stream.indirect.gather [hbm4b:s4+s17], $0x80, s21, s17, $0xb8;
	[tilespmem:$0x1D000] =	vst v63  }
0x33: {  	_ =	swait.ge [sflag:s19], $0x4000  }
0x34: {  	[sflag:s19] =	ssyncset.done $0x0  }
0x35: {  	s21 =	sadd.s32 $0x2800, s21;
	[sflag:s19] =	ssyncadd.s32 $0xFFFFC000  }
0x36: {  	[spmem:s2] =	stream.indirect.scatter.add.f32 [tilespmem:s18], [sflag:$0x2], $0x80, s21, s17, $0xb8;
	[tilespmem:$0x1D000] =	vst v63  }
0x37: {  	_ =	swait.ge [sflag:s14], $0x4000  }
0x38: {  	[sflag:s14] =	ssyncset.done $0x0  }
0x39: {  	[sflag:s14] =	ssyncadd.s32 $0xFFFFC000  }
0x3a: {  	[bflag:$0x0] =	sbarrier.arrive $0xFFFF  }
0x3b: {  	[hbm:s8], [sflag:s15] =	dma.local [spmem:s16], $0x2800  }
0x3c: {  	_ =	swait.ge [sflag:s14], $0x2800  }
0x3d: {  	[sflag:s14] =	ssyncset.done $0x0  }
0x3e: {  	s29 =	simm.s32 $0x0;
	[sflag:s14] =	ssyncadd.s32 $0xFFFFD800  }
0x3f: {  	[tilespmem:s29], [sflag:$0x2] =	stream.linear.gather [hbm4b:s9+s29], $0x2780, $0x38;
	[tilespmem:$0x1D000] =	vst v63  }
0x40: {  	_ =	swait.ge [sflag:s14], $0x2780  }
0x41: {  	[sflag:s14] =	ssyncset.done $0x0  }
0x42: {  	[sflag:s14] =	ssyncadd.s32 $0xFFFFD880  }
0x43: {  	[spmem:s16], [sflag:s15] =	dma.local [hbm:s10], $0x2800  }
0x44: {  	_ =	swait.ge [sflag:s14], $0x2800  }
0x45: {  	[sflag:s14] =	ssyncset.done $0x0  }
0x46: {  	[sflag:s14] =	ssyncadd.s32 $0xFFFFD800  }
0x47: {  	s30 =	simm.s32 $0x0;
	[bflag:$0x0] =	sbarrier.arrive $0xFFFF  }
0x48: {  	[tilespmem:s18], [sflag:$0x1] =	stream.indirect.gather [hbm4b:s4+s17], $0x80, s30, s17, $0xb8;
	[tilespmem:$0x1D000] =	vst v63  }
0x49: {  	_ =	swait.ge [sflag:s19], $0x4000  }
0x4a: {  	[sflag:s19] =	ssyncset.done $0x0  }
0x4b: {  	s31 =	simm.s32 $0x2800;
	[sflag:s19] =	ssyncadd.s32 $0xFFFFC000  }
0x4c: {  	[spmem:s2] =	stream.indirect.scatter.add.f32 [tilespmem:s18], [sflag:$0x2], $0x80, s31, s17, $0xb8;
	[tilespmem:$0x1D000] =	vst v63  }
0x4d: {  	_ =	swait.ge [sflag:s14], $0x4000  }
0x4e: {  	s22 =	simm.s32 $0x400;
	s21 =	simm.s32 $0x200;
	[sflag:s14] =	ssyncset.done $0x0  }
.LBB2_4:
0x4f: {  	s23 =	sshra.s32 s21, $0x2  }
0x50: {  	[sflag:s14] =	ssyncadd.s32 $0xFFFFC000;
	s21 =	smov.u32 s22;
	s24 =	sadd.s32 $0x200, s22  }
0x51: {  	[tilespmem:s18], [sflag:$0x1] =	stream.indirect.gather [hbm4b:s4+s17], $0x80, s23, s17, $0xb8;
	[tilespmem:$0x1D000] =	vst v63  }
0x52: {  	p0 =	sne.s32 s22, $0x9C00;
	_ =	swait.ge [sflag:s19], $0x4000  }
.Ltmp1:
0x53: {  	[sflag:s19] =	ssyncset.done $0x0;
	(pc) =	sbr.rel @p0 .LBB2_4-.Ltmp1, $4  }
0x54: {  	s22 =	sadd.s32 $0x2800, s23;
	[sflag:s19] =	ssyncadd.s32 $0xFFFFC000  }
0x55: {  	[spmem:s2] =	stream.indirect.scatter.add.f32 [tilespmem:s18], [sflag:$0x2], $0x80, s22, s17, $0xb8;
	[tilespmem:$0x1D000] =	vst v63  }
0x56: {  	_ =	swait.ge [sflag:s14], $0x4000  }
0x57: {  	s22 =	smov.u32 s24;
	[sflag:s14] =	ssyncset.done $0x0  }
0x58: {  	s21 =	sshra.s32 s21, $0x2;
	[sflag:s14] =	ssyncadd.s32 $0xFFFFC000  }
0x59: {  	[tilespmem:s18], [sflag:$0x1] =	stream.indirect.gather [hbm4b:s4+s17], $0x80, s21, s17, $0xb8;
	[tilespmem:$0x1D000] =	vst v63  }
0x5a: {  	_ =	swait.ge [sflag:s19], $0x4000  }
0x5b: {  	[sflag:s19] =	ssyncset.done $0x0  }
0x5c: {  	s21 =	sadd.s32 $0x2800, s21;
	[sflag:s19] =	ssyncadd.s32 $0xFFFFC000  }
0x5d: {  	[spmem:s2] =	stream.indirect.scatter.add.f32 [tilespmem:s18], [sflag:$0x2], $0x80, s21, s17, $0xb8;
	[tilespmem:$0x1D000] =	vst v63  }
0x5e: {  	_ =	swait.ge [sflag:s14], $0x4000  }
0x5f: {  	s20 =	sadd.s32 $0x1, s20;
	[sflag:s14] =	ssyncset.done $0x0  }
0x60: {  	p0 =	sne.s32 s20, s12;
	[sflag:s14] =	ssyncadd.s32 $0xFFFFC000  }
.Ltmp2:
0x61: {  	[bflag:$0x0] =	sbarrier.arrive $0xFFFF;
	(pc) =	sbr.rel @p0 .LBB2_1-.Ltmp2, $4  }
0x62: {  	[hbm:s11], [sflag:s15] =	dma.local [spmem:s16], $0x2800  }
0x63: {  	_ =	swait.ge [sflag:s14], $0x2800  }
0x64: {  	[sflag:s14] =	ssyncset.done $0x0  }
0x65: {  	[sflag:s14] =	ssyncadd.s32 $0xFFFFD800  }
0x66: {  	_ =	sfence.sel $0x180000  }
0x67: {  	[bflag:$0x0] =	sbarrier.arrive $0xFFFF  }
0x68: {  	p0 =	sne.s32 s1, $0x0;
	_ =	strace $0x9000004D  }
0x69: {  	s0 =	sadd.s32 @!p0 $0x100000, s0;
	[bflag:$0x2] =	sbarrier.arrive $0xFFFF  }
0x6a: {  	[sflag:s0] =	ssyncadd.tile.s32 @!p0 $0x1;
	_ =	shalt  }
.Lfunc_end2:
_tile_overlayer_lowered:
.L_overlay_start_2:
0x6b: {  	(tag) =	ssettag $0x2  }
0x6c: {  	s0 =	rddreg [dreg:$0x0];
	s2 =	stileid.u32  }
0x6d: {  	s1 =	rddreg [dreg:$0x1];
	p0 =	sne.s32 s2, $0x0  }
0x6e: {  	s3 =	rddreg [dreg:$0x2];
	[bflag:$0x3] =	sbarrier.arrive $0xFFFF;
	s2 =	simm.s32 @!p0 $0x1C02  }
0x6f: {  	[timem:s3], [sflag:s2] =	dma.local @!p0 [hbm:s0], s1  }
0x70: {  	s0 =	simm.s32 @!p0 $0x2  }
0x71: {  	_ =	swait.ge @!p0 [sflag:s0], s1  }
0x72: {  	s1 =	ssub.s32 @!p0 $0x0, s1;
	[sflag:s0] =	ssyncset.done @!p0 $0x0  }
0x73: {  	[sflag:s0] =	ssyncadd.s32 @!p0 s1  }
0x74: {  	[bflag:$0x3] =	sbarrier.arrive $0xFFFF  }
0x75: {  	_ =	shalt  }

// kernel: kernel.21.cloned.1.call-start
scs
__scs_entry_jumppad:
0x0: {  	(pc) =	sbr.rel $0x88, $3  }
0x1: {  	(tag) =	ssettag $0x0;
	lr =	simm.s32 $0x1  }
0x2: {  	[smem:$0x3F97] =	sst lr;
	_ =	strace $0xD0000000  }
0x3: {  	_ = 	snop  }
0x4: {  	_ = 	snop  }
0x5: {  	_ = 	snop  }
0x6: {  	_ = 	snop  }
0x7: {  	_ = 	snop  }
__scs_overlays_trampoline_lowered:
0x8: {  	[smem:$0x3FA6] =	sst s0  }
0x9: {  	[smem:$0x3FA7] =	sst s1  }
0xa: {  	[smem:$0x3FA8] =	sst s2  }
0xb: {  	[smem:$0x3FA9] =	sst s3  }
0xc: {  	[smem:$0x3FAA] =	sst s4  }
0xd: {  	[smem:$0x3FAB] =	sst s5  }
0xe: {  	[smem:$0x3FAC] =	sst s6  }
0xf: {  	[smem:$0x3FAD] =	sst s7  }
0x10: {  	[smem:$0x3FAE] =	sst s8  }
0x11: {  	[smem:$0x3FAF] =	sst s9;
	s0 =	simm.s32 @!p0 $0x0  }
0x12: {  	s1 =	sld [smem:$0x3F95];
	s0 =	simm.s32 @p0 $0x1  }
0x13: {  	[smem:$0x3FB0] =	sst s0;
	s0 =	simm.s32 @!p1 $0x0  }
0x14: {  	s2 =	sld [smem:$0x3F94];
	s0 =	simm.s32 @p1 $0x1  }
0x15: {  	[smem:$0x3FB1] =	sst s0;
	s0 =	simm.s32 @!p2 $0x0  }
0x16: {  	s3 =	sld [smem:$0x3FDB];
	s0 =	simm.s32 @p2 $0x1  }
0x17: {  	s4 =	simm.s32 $0x1BF5;
	[smem:$0x3FB3] =	sst s0  }
0x18: {  	s0 =	sld [smem:$0x3F96];
	_ =	swait.ge [sflag:s4], $0x0  }
0x19: {  	s7 =	sld [smem:$0x3F97]  }
0x1a: {  	s8 =	sadd.s32 $0xFFFFE003, lr  }
0x1b: {  	s9 =	sadd.s32 $0xFFFFFEF7, lr;
	s5 =	simm.s32 $0xFFFFFFFF;
	p2 =	slt.u32 s8, $0xFFFFF086  }
0x1c: {  	p1 =	slt.u32 s9, $0xF7A;
	s5 =	simm.s32 @!p2 $0x0  }
0x1d: {  	s5 =	simm.s32 @p1 $0x1;
	p0 =	seq.s32 s7, s2  }
0x1e: {  	s7 =	smul.u32 @!p0 $0xF7A, s2;
	p2 =	seq.s32 @!p0 s5, $0x0  }
0x1f: {  	s9 =	smul.u32 $0xF7A, s1;
	s8 =	simm.s32 @!p0 $0x1BF5;
	p2 =	por !p2, p0  }
0x20: {  	[sflag:s8] =	ssyncset.s32 @!p0 $0xFFFFF086;
	s6 =	sadd.s32 @!p0 s3, s7;
	s7 =	simm.s32 @!p0 $0x108  }
0x21: {  	s3 =	sadd.s32 s3, s9;
	s6 =	sadd.s32 @!p0 $0x88, s6;
	s7 =	simm.s32 @p2 $0x1082  }
0x22: {  	[simem:s7], [sflag:s8] =	dma.local @!p0 [hbm:s6], $0xF7A  }
0x23: {  	s9 =	sor.u32 $0xD0000000, s2;
	s6 =	simm.s32 $0x108;
	_ =	swait.ge @!p0 [sflag:s8], $0x0  }
0x24: {  	s3 =	sadd.s32 $0x88, s3;
	s6 =	simm.s32 @!p1 $0x1082;
	[sflag:s4] =	ssyncset.s32 $0xFFFFF086  }
0x25: {  	[simem:s6], [sflag:s4] =	dma.local [hbm:s3], $0xF7A  }
0x26: {  	[smem:$0x3F97] =	sst s1;
	(tag) =	ssettag s2;
	_ =	strace s9  }
0x27: {  	s1 =	sld [smem:$0x3FA7]  }
0x28: {  	s2 =	sld [smem:$0x3FA8]  }
0x29: {  	s4 =	sld [smem:$0x3FAA]  }
0x2a: {  	p0 =	seq.s32 s5, $0x0;
	s5 =	sld [smem:$0x3FAB]  }
0x2b: {  	s6 =	sld [smem:$0x3FAC]  }
0x2c: {  	s7 =	sld [smem:$0x3FAD]  }
0x2d: {  	s3 =	simm.s32 $0x108;
	s8 =	sld [smem:$0x3FAE]  }
0x2e: {  	s3 =	simm.s32 @!p0 $0x1082;
	s9 =	sld [smem:$0x3FAF]  }
0x2f: {  	lr =	sadd.s32 s0, s3;
	s0 =	sld [smem:$0x3FA6]  }
0x30: {  	s3 =	sld [smem:$0x3FA9]  }
0x31: {  	[smem:$0x3FB2] =	sst s10  }
0x32: {  	s10 =	sld [smem:$0x3FB0];
	_ =	sdelay $0x3  }
0x33: {  	p0 =	seq.s32 s10, $0x1;
	s10 =	sld [smem:$0x3FB2];
	_ =	sdelay $0x3  }
0x34: {  	[smem:$0x3FB2] =	sst s10  }
0x35: {  	s10 =	sld [smem:$0x3FB1];
	_ =	sdelay $0x3  }
0x36: {  	p1 =	seq.s32 s10, $0x1;
	s10 =	sld [smem:$0x3FB2];
	_ =	sdelay $0x3  }
0x37: {  	[smem:$0x3FB2] =	sst s10  }
0x38: {  	s10 =	sld [smem:$0x3FB3]  }
0x39: {  	_ = 	snop;
	(pc) =	sbr.ind lr, $3  }
0x3a: {  	_ = 	snop  }
0x3b: {  	_ = 	snop  }
0x3c: {  	p2 =	seq.s32 s10, $0x1;
	s10 =	sld [smem:$0x3FB2]  }
0x3d: {  	_ =	shalt  }
0x3e: {  	_ =	shalt  }
0x3f: {  	_ =	shalt  }
0x40: {  	_ =	shalt  }
0x41: {  	_ =	shalt  }
0x42: {  	_ =	shalt  }
0x43: {  	_ =	shalt  }
0x44: {  	_ =	shalt  }
0x45: {  	_ =	shalt  }
0x46: {  	_ =	shalt  }
0x47: {  	_ =	shalt  }
0x48: {  	_ =	shalt  }
0x49: {  	_ =	shalt  }
0x4a: {  	_ =	shalt  }
0x4b: {  	_ =	shalt  }
0x4c: {  	_ =	shalt  }
0x4d: {  	_ =	shalt  }
0x4e: {  	_ =	shalt  }
0x4f: {  	_ =	shalt  }
0x50: {  	_ =	shalt  }
0x51: {  	_ =	shalt  }
0x52: {  	_ =	shalt  }
0x53: {  	_ =	shalt  }
0x54: {  	_ =	shalt  }
0x55: {  	_ =	shalt  }
0x56: {  	_ =	shalt  }
0x57: {  	_ =	shalt  }
0x58: {  	_ =	shalt  }
0x59: {  	_ =	shalt  }
0x5a: {  	_ =	shalt  }
0x5b: {  	_ =	shalt  }
0x5c: {  	_ =	shalt  }
0x5d: {  	_ =	shalt  }
0x5e: {  	_ =	shalt  }
0x5f: {  	_ =	shalt  }
0x60: {  	_ =	shalt  }
0x61: {  	_ =	shalt  }
0x62: {  	_ =	shalt  }
0x63: {  	_ =	shalt  }
0x64: {  	_ =	shalt  }
0x65: {  	_ =	shalt  }
0x66: {  	_ =	shalt  }
0x67: {  	_ =	shalt  }
0x68: {  	_ =	shalt  }
0x69: {  	_ =	shalt  }
0x6a: {  	_ =	shalt  }
0x6b: {  	_ =	shalt  }
0x6c: {  	_ =	shalt  }
0x6d: {  	_ =	shalt  }
0x6e: {  	_ =	shalt  }
0x6f: {  	_ =	shalt  }
0x70: {  	_ =	shalt  }
0x71: {  	_ =	shalt  }
0x72: {  	_ =	shalt  }
0x73: {  	_ =	shalt  }
0x74: {  	_ =	shalt  }
0x75: {  	_ =	shalt  }
0x76: {  	_ =	shalt  }
0x77: {  	_ =	shalt  }
0x78: {  	_ =	shalt  }
0x79: {  	_ =	shalt  }
0x7a: {  	_ =	shalt  }
0x7b: {  	_ =	shalt  }
0x7c: {  	_ =	shalt  }
0x7d: {  	_ =	shalt  }
0x7e: {  	_ =	shalt  }
0x7f: {  	_ =	shalt  }
0x80: {  	_ =	shalt  }
0x81: {  	_ =	shalt  }
0x82: {  	_ =	shalt  }
0x83: {  	_ =	shalt  }
0x84: {  	_ =	shalt  }
0x85: {  	_ =	shalt  }
0x86: {  	_ =	shalt  }
0x87: {  	_ =	shalt  }
.Lfunc_end0:
.L_simem_size_0:
called_computation.3_lowered:
.L_overlay_start_0:
0x88: {  	s2 =	sld [smem:$0x3FD9]  }
0x89: {  	s3 =	sld [smem:$0x3FFE];
	_ =	sdelay $0x1  }
0x8a: {  	s1 =	srdreg.scid  }
0x8b: {  	s0 =	sand.u32 $0x1, s1  }
0x8c: {  	s16 =	sshll.u32 s0, $0xA;
	s2 =	sadd.s32 s3, s2  }
0x8d: {  	s2 =	sadd.s32 s2, s16  }
0x8e: {  	[smem:$0x3FBE] =	sst s2  }
0x8f: {  	_ = 	snop  }
0x90: {  	(tm) =	ssettm $0x1  }
0x91: {  	s17 =	sld [smem:$0x3FFB];
	_ =	sdelay $0x3  }
0x92: {  	_ =	strace s17  }
0x93: {  	s2 =	sld [smem:$0x3FFC];
	_ =	sdelay $0x3  }
0x94: {  	_ =	strace s2  }
0x95: {  	s2 =	sld [smem:$0x3FFD];
	_ =	sdelay $0x3  }
0x96: {  	_ =	strace s2  }
0x97: {  	_ =	strace $0x8FFFFFFF  }
0x98: {  	s18 =	sld [smem:$0x3FDB];
	_ =	sdelay $0x1  }
0x99: {  	s19 =	simm.s32 $_scs_section_size  }
0x9a: {  	s4 =	simm.s32 $_size__tile_overlayer_lowered;
	s5 =	simm.s32 $_tile_overlayer_lowered  }
0x9b: {  	s22 =	simm.s32 $0x1BFF;
	s21 =	sshll.u32 s5, $0x1;
	s2 =	sadd.s32 s19, s18  }
0x9c: {  	s6 =	simm.s32 $0x0;
	s20 =	sshll.u32 s4, $0x1;
	s4 =	sadd.s32 s21, s2  }
0x9d: {  	[timem:s6], [sflag:s22] =	dma.local [hbm:s4], s20  }
0x9e: {  	_ =	swait.ge [sflag:s22], s20  }
0x9f: {  	s3 =	ssub.s32 $0x0, s20;
	[sflag:s22] =	ssyncset.done $0x0  }
0xa0: {  	[sflag:s22] =	ssyncadd.s32 s3;
	_ =	sdelay $0x1  }
0xa1: {  	s23 =	simm.s32 $0x1B8B  }
0xa2: {  	_ =	swait.ge [sflag:s23], $0x1  }
0xa3: {  	[sflag:s23] =	ssyncset.done $0x0  }
0xa4: {  	s25 =	simm.s32 $0x1B8E;
	s24 =	sld [smem:$0x3FFE];
	[sflag:s23] =	ssyncadd.s32 $0xFFFFFFFF  }
0xa5: {  	s26 =	simm.s32 $execute0_lowered;
	[smem:$0x3FD2] =	sst s25  }
0xa6: {  	s4 =	sshll.u32 s26, $0x1;
	_ =	strace $0x8000004F;
	[dreg:$0x1] =	wrdreg $0xFFFFFFFF  }
0xa7: {  	s28 =	simm.s32 $_size_execute0_lowered;
	s2 =	sadd.s32 s2, s4;
	[dreg:$0x0] =	wrdreg $0x0  }
0xa8: {  	s4 =	sshll.u32 s28, $0x1;
	[dreg:$0x2] =	wrdreg s2  }
0xa9: {  	[dreg:$0x3] =	wrdreg s4  }
0xaa: {  	[dreg:$0x4] =	wrdreg $0xC0  }
0xab: {  	_ =	task [dreg:s6], $0x5FFFF  }
0xac: {  	[dreg:$0x1] =	wrdreg $0xFFFFFFFF  }
0xad: {  	[dreg:$0x0] =	wrdreg $0x60  }
0xae: {  	[dreg:$0x2] =	wrdreg s24  }
0xaf: {  	[dreg:$0x3] =	wrdreg $0x90000  }
0xb0: {  	[dreg:$0x4] =	wrdreg $0x9  }
0xb1: {  	_ =	task.clear_ibuf [dreg:s6], $0x5FFFF;
	_ =	strace $0x9000004F  }
0xb2: {  	s29 =	simm.s32 $0x9;
	_ =	strace $0x80000051  }
0xb3: {  	_ =	swait.ge [sflag:s29], $0x1  }
0xb4: {  	[sflag:s29] =	ssyncadd.s32 $0xFFFFFFFF  }
0xb5: {  	_ =	strace $0x90000051  }
0xb6: {  	_ =	sfence  }
0xb7: {  	s30 =	sld [smem:$0x0];
	_ =	sdelay $0x2  }
0xb8: {  	s31 =	sshll.u32 s1, $0xD;
	s1 =	sshrl.u32 s1, $0x2  }
0xb9: {  	s3 =	sand.u32 $0x4000, s31;
	s1 =	sadd.s32 s1, s30  }
0xba: {  	s0 =	sor.u32 s3, s0;
	s1 =	sshll.u32 s1, $0x11  }
0xbb: {  	s0 =	sor.u32 s1, s0  }
0xbc: {  	s0 =	sadd.s32 $0x8F2B, s0  }
0xbd: {  	[sflag:s0] =	ssyncadd.remote.s32 $0x1  }
0xbe: {  	_ =	sfence.sel $0xFFFF  }
0xbf: {  	[dreg:$0x0] =	wrdreg $0xFFFFFFFF;
	(pc) =	sbr.abs _section_cstart, $3  }
0xc0: {  	[dreg:$0x1] =	wrdreg $0xFFFFFFFF  }
0xc1: {  	_ =	task.clear_ibuf [dreg:s6], $0x2FFFF;
	_ =	strace $0x9FFFFFFF  }
0xc2: {  	(tm) =	ssettm $0x7FFFFFFF  }
0xc3: {  	_ =	shalt  }
tec
execute0_lowered:
.L_overlay_start_1:
0x0: {  	(tag) =	ssettag $0x1  }
0x1: {  	s5 =	rddreg [dreg:$0x0]  }
0x2: {  	s2 =	rddreg [dreg:$0x1]  }
0x3: {  	s0 =	rddreg [dreg:$0x2];
	s3 =	simm.s32 $0x0  }
0x4: {  	s1 =	stileid.u32;
	s6 =	srdreg.scid;
	s17 =	simm.s32 $0x80  }
0x5: {  	s18 =	simm.s32 $0x5000;
	s19 =	simm.s32 $0x1;
	s7 =	smul.u32 $0x2800, s1  }
0x6: {  	[smem:$0x7FF] =	sst s3;
	s4 =	sadd.s32 $0x93E00, s5;
	s13 =	smul.u32 $0x280, s1  }
0x7: {  	s9 =	sadd.s32 $0x7FE00, s5;
	s6 =	sand.u32 $0x1, s6;
	s22 =	smul.u32 $0x50000, s1  }
0x8: {  	s12 =	sadd.s32 $0x133E00, s5;
	s31 =	sshll.u32 s1, $0x6;
	s11 =	smul.u32 $0x50000, s6  }
0x9: {  	_ =	strace $0x80000050;
	s15 =	smul.u32 $0x5000, s6;
	s16 =	sshllo.u32 s6, $0x1  }
0xa: {  	s10 =	ssub.s32 $0x2, s6;
	s8 =	sshrl.u32 s7, $0x3;
	s23 =	smul.u32 $0x28000, s16  }
0xb: {  	s20 =	sshrl.u32 s10, $0x1;
	s25 =	smul.u32 $0x2800, s16;
	s8 =	sadd.s32 s8, s5  }
0xc: {  	s14 =	ssub.s32 s10, s20;
	s21 =	sadd.s32 s7, s11;
	s10 =	sshrl.u32 s22, $0x2  }
0xd: {  	s24 =	sadd.s32 s13, s15;
	s15 =	sor.u32 $0x1C02, s31;
	s20 =	simm.s32 $0x0  }
0xe: {  	s11 =	sshrl.u32 s21, $0x3;
	s5 =	sadd.s32 $0x7AE00, s8;
	s26 =	sadd.s32 s10, s2  }
0xf: {  	s28 =	sshll.u32 s24, $0x4;
	s8 =	sadd.s32 s7, s23;
	s13 =	sadd.s32 s13, s25  }
0x10: {  	s6 =	sadd.s32 s9, s11;
	s7 =	sadd.s32 s4, s28;
	s29 =	sshrl.u32 s8, $0x3  }
0x11: {  	s8 =	sadd.s32 s12, s28;
	s30 =	sshll.u32 s13, $0x4;
	s13 =	simm.s32 $0x2800  }
0x12: {  	s16 =	sshrl.u32 s26, $0x3;
	s9 =	sadd.s32 s9, s29;
	s10 =	sadd.s32 s4, s30  }
0x13: {  	s11 =	sadd.s32 s12, s30;
	s12 =	smax.u32 s14, $0x1;
	s14 =	simm.s32 $0x2  }
.LBB2_1:
0x14: {  	[tilespmem:s13], [sflag:$0x2] =	stream.linear.gather [hbm4b:s5+s3], $0x2780, $0x38;
	[tilespmem:$0x1D000] =	vst v63  }
0x15: {  	_ =	swait.ge [sflag:s14], $0x2780  }
0x16: {  	[sflag:s14] =	ssyncset.done $0x0  }
0x17: {  	[sflag:s14] =	ssyncadd.s32 $0xFFFFD880  }
0x18: {  	[tilespmem:s3], [sflag:$0x2] =	stream.linear.gather [hbm4b:s6+s3], $0x2780, $0x38;
	[tilespmem:$0x1D000] =	vst v63  }
0x19: {  	_ =	swait.ge [sflag:s14], $0x2780  }
0x1a: {  	[sflag:s14] =	ssyncset.done $0x0  }
0x1b: {  	[sflag:s14] =	ssyncadd.s32 $0xFFFFD880  }
0x1c: {  	[spmem:s16], [sflag:s15] =	dma.local [hbm:s7], $0x2800  }
0x1d: {  	_ =	swait.ge [sflag:s14], $0x2800  }
0x1e: {  	[sflag:s14] =	ssyncset.done $0x0  }
0x1f: {  	[sflag:s14] =	ssyncadd.s32 $0xFFFFD800  }
0x20: {  	s21 =	simm.s32 $0x0;
	[bflag:$0x0] =	sbarrier.arrive $0xFFFF  }
0x21: {  	[tilespmem:s18], [sflag:$0x1] =	stream.indirect.gather [hbm4b:s4+s17], $0x80, s21, s17, $0xb8;
	[tilespmem:$0x1D000] =	vst v63  }
0x22: {  	_ =	swait.ge [sflag:s19], $0x4000  }
0x23: {  	[sflag:s19] =	ssyncset.done $0x0  }
0x24: {  	s31 =	simm.s32 $0x2800;
	[sflag:s19] =	ssyncadd.s32 $0xFFFFC000  }
0x25: {  	[spmem:s2] =	stream.indirect.scatter.add.f32 [tilespmem:s18], [sflag:$0x2], $0x80, s31, s17, $0xb8;
	[tilespmem:$0x1D000] =	vst v63  }
0x26: {  	_ =	swait.ge [sflag:s14], $0x4000  }
0x27: {  	s22 =	simm.s32 $0x400;
	s21 =	simm.s32 $0x200;
	[sflag:s14] =	ssyncset.done $0x0  }
.LBB2_2:
0x28: {  	s23 =	sshra.s32 s21, $0x2  }
0x29: {  	[sflag:s14] =	ssyncadd.s32 $0xFFFFC000;
	s21 =	smov.u32 s22;
	s24 =	sadd.s32 $0x200, s22  }
0x2a: {  	[tilespmem:s18], [sflag:$0x1] =	stream.indirect.gather [hbm4b:s4+s17], $0x80, s23, s17, $0xb8;
	[tilespmem:$0x1D000] =	vst v63  }
0x2b: {  	p0 =	sne.s32 s22, $0x9C00;
	_ =	swait.ge [sflag:s19], $0x4000  }
.Ltmp0:
0x2c: {  	[sflag:s19] =	ssyncset.done $0x0;
	(pc) =	sbr.rel @p0 .LBB2_2-.Ltmp0, $4  }
0x2d: {  	s22 =	sadd.s32 $0x2800, s23;
	[sflag:s19] =	ssyncadd.s32 $0xFFFFC000  }
0x2e: {  	[spmem:s2] =	stream.indirect.scatter.add.f32 [tilespmem:s18], [sflag:$0x2], $0x80, s22, s17, $0xb8;
	[tilespmem:$0x1D000] =	vst v63  }
0x2f: {  	_ =	swait.ge [sflag:s14], $0x4000  }
0x30: {  	s22 =	smov.u32 s24;
	[sflag:s14] =	ssyncset.done $0x0  }
0x31: {  	s21 =	sshra.s32 s21, $0x2;
	[sflag:s14] =	ssyncadd.s32 $0xFFFFC000  }
0x32: {  	[tilespmem:s18], [sflag:$0x1] =	stream.indirect.gather [hbm4b:s4+s17], $0x80, s21, s17, $0xb8;
	[tilespmem:$0x1D000] =	vst v63  }
0x33: {  	_ =	swait.ge [sflag:s19], $0x4000  }
0x34: {  	[sflag:s19] =	ssyncset.done $0x0  }
0x35: {  	s21 =	sadd.s32 $0x2800, s21;
	[sflag:s19] =	ssyncadd.s32 $0xFFFFC000  }
0x36: {  	[spmem:s2] =	stream.indirect.scatter.add.f32 [tilespmem:s18], [sflag:$0x2], $0x80, s21, s17, $0xb8;
	[tilespmem:$0x1D000] =	vst v63  }
0x37: {  	_ =	swait.ge [sflag:s14], $0x4000  }
0x38: {  	[sflag:s14] =	ssyncset.done $0x0  }
0x39: {  	[sflag:s14] =	ssyncadd.s32 $0xFFFFC000  }
0x3a: {  	[bflag:$0x0] =	sbarrier.arrive $0xFFFF  }
0x3b: {  	[hbm:s8], [sflag:s15] =	dma.local [spmem:s16], $0x2800  }
0x3c: {  	_ =	swait.ge [sflag:s14], $0x2800  }
0x3d: {  	[sflag:s14] =	ssyncset.done $0x0  }
0x3e: {  	s29 =	simm.s32 $0x0;
	[sflag:s14] =	ssyncadd.s32 $0xFFFFD800  }
0x3f: {  	[tilespmem:s29], [sflag:$0x2] =	stream.linear.gather [hbm4b:s9+s29], $0x2780, $0x38;
	[tilespmem:$0x1D000] =	vst v63  }
0x40: {  	_ =	swait.ge [sflag:s14], $0x2780  }
0x41: {  	[sflag:s14] =	ssyncset.done $0x0  }
0x42: {  	[sflag:s14] =	ssyncadd.s32 $0xFFFFD880  }
0x43: {  	[spmem:s16], [sflag:s15] =	dma.local [hbm:s10], $0x2800  }
0x44: {  	_ =	swait.ge [sflag:s14], $0x2800  }
0x45: {  	[sflag:s14] =	ssyncset.done $0x0  }
0x46: {  	[sflag:s14] =	ssyncadd.s32 $0xFFFFD800  }
0x47: {  	s30 =	simm.s32 $0x0;
	[bflag:$0x0] =	sbarrier.arrive $0xFFFF  }
0x48: {  	[tilespmem:s18], [sflag:$0x1] =	stream.indirect.gather [hbm4b:s4+s17], $0x80, s30, s17, $0xb8;
	[tilespmem:$0x1D000] =	vst v63  }
0x49: {  	_ =	swait.ge [sflag:s19], $0x4000  }
0x4a: {  	[sflag:s19] =	ssyncset.done $0x0  }
0x4b: {  	s31 =	simm.s32 $0x2800;
	[sflag:s19] =	ssyncadd.s32 $0xFFFFC000  }
0x4c: {  	[spmem:s2] =	stream.indirect.scatter.add.f32 [tilespmem:s18], [sflag:$0x2], $0x80, s31, s17, $0xb8;
	[tilespmem:$0x1D000] =	vst v63  }
0x4d: {  	_ =	swait.ge [sflag:s14], $0x4000  }
0x4e: {  	s22 =	simm.s32 $0x400;
	s21 =	simm.s32 $0x200;
	[sflag:s14] =	ssyncset.done $0x0  }
.LBB2_4:
0x4f: {  	s23 =	sshra.s32 s21, $0x2  }
0x50: {  	[sflag:s14] =	ssyncadd.s32 $0xFFFFC000;
	s21 =	smov.u32 s22;
	s24 =	sadd.s32 $0x200, s22  }
0x51: {  	[tilespmem:s18], [sflag:$0x1] =	stream.indirect.gather [hbm4b:s4+s17], $0x80, s23, s17, $0xb8;
	[tilespmem:$0x1D000] =	vst v63  }
0x52: {  	p0 =	sne.s32 s22, $0x9C00;
	_ =	swait.ge [sflag:s19], $0x4000  }
.Ltmp1:
0x53: {  	[sflag:s19] =	ssyncset.done $0x0;
	(pc) =	sbr.rel @p0 .LBB2_4-.Ltmp1, $4  }
0x54: {  	s22 =	sadd.s32 $0x2800, s23;
	[sflag:s19] =	ssyncadd.s32 $0xFFFFC000  }
0x55: {  	[spmem:s2] =	stream.indirect.scatter.add.f32 [tilespmem:s18], [sflag:$0x2], $0x80, s22, s17, $0xb8;
	[tilespmem:$0x1D000] =	vst v63  }
0x56: {  	_ =	swait.ge [sflag:s14], $0x4000  }
0x57: {  	s22 =	smov.u32 s24;
	[sflag:s14] =	ssyncset.done $0x0  }
0x58: {  	s21 =	sshra.s32 s21, $0x2;
	[sflag:s14] =	ssyncadd.s32 $0xFFFFC000  }
0x59: {  	[tilespmem:s18], [sflag:$0x1] =	stream.indirect.gather [hbm4b:s4+s17], $0x80, s21, s17, $0xb8;
	[tilespmem:$0x1D000] =	vst v63  }
0x5a: {  	_ =	swait.ge [sflag:s19], $0x4000  }
0x5b: {  	[sflag:s19] =	ssyncset.done $0x0  }
0x5c: {  	s21 =	sadd.s32 $0x2800, s21;
	[sflag:s19] =	ssyncadd.s32 $0xFFFFC000  }
0x5d: {  	[spmem:s2] =	stream.indirect.scatter.add.f32 [tilespmem:s18], [sflag:$0x2], $0x80, s21, s17, $0xb8;
	[tilespmem:$0x1D000] =	vst v63  }
0x5e: {  	_ =	swait.ge [sflag:s14], $0x4000  }
0x5f: {  	s20 =	sadd.s32 $0x1, s20;
	[sflag:s14] =	ssyncset.done $0x0  }
0x60: {  	p0 =	sne.s32 s20, s12;
	[sflag:s14] =	ssyncadd.s32 $0xFFFFC000  }
.Ltmp2:
0x61: {  	[bflag:$0x0] =	sbarrier.arrive $0xFFFF;
	(pc) =	sbr.rel @p0 .LBB2_1-.Ltmp2, $4  }
0x62: {  	[hbm:s11], [sflag:s15] =	dma.local [spmem:s16], $0x2800  }
0x63: {  	_ =	swait.ge [sflag:s14], $0x2800  }
0x64: {  	[sflag:s14] =	ssyncset.done $0x0  }
0x65: {  	[sflag:s14] =	ssyncadd.s32 $0xFFFFD800  }
0x66: {  	_ =	sfence.sel $0x180000  }
0x67: {  	[bflag:$0x0] =	sbarrier.arrive $0xFFFF  }
0x68: {  	p0 =	sne.s32 s1, $0x0;
	_ =	strace $0x90000050  }
0x69: {  	s0 =	sadd.s32 @!p0 $0x100000, s0;
	[bflag:$0x2] =	sbarrier.arrive $0xFFFF  }
0x6a: {  	[sflag:s0] =	ssyncadd.tile.s32 @!p0 $0x1;
	_ =	shalt  }
.Lfunc_end2:
_tile_overlayer_lowered:
.L_overlay_start_2:
0x6b: {  	(tag) =	ssettag $0x2  }
0x6c: {  	s0 =	rddreg [dreg:$0x0];
	s2 =	stileid.u32  }
0x6d: {  	s1 =	rddreg [dreg:$0x1];
	p0 =	sne.s32 s2, $0x0  }
0x6e: {  	s3 =	rddreg [dreg:$0x2];
	[bflag:$0x3] =	sbarrier.arrive $0xFFFF;
	s2 =	simm.s32 @!p0 $0x1C02  }
0x6f: {  	[timem:s3], [sflag:s2] =	dma.local @!p0 [hbm:s0], s1  }
0x70: {  	s0 =	simm.s32 @!p0 $0x2  }
0x71: {  	_ =	swait.ge @!p0 [sflag:s0], s1  }
0x72: {  	s1 =	ssub.s32 @!p0 $0x0, s1;
	[sflag:s0] =	ssyncset.done @!p0 $0x0  }
0x73: {  	[sflag:s0] =	ssyncadd.s32 @!p0 s1  }
0x74: {  	[bflag:$0x3] =	sbarrier.arrive $0xFFFF  }
0x75: {  	_ =	shalt  }

</sc_bundles>
